<compile_context>
chip_gen: v7x
topology: tpu7x:2x2x1
jax: 0.10.2.dev20260603
libtpu: 0.0.44.dev20260713+nightly
codegen_flags: <defaults>
</compile_context>

<pallas_src>
import jax
import jax.numpy as jnp
from jax import lax
from jax.experimental import pallas as pl
from jax.experimental.pallas import tpu as pltpu
from jax.experimental.pallas import tpu_sc as plsc

N_NODES = 10000
D = 128
NC, NS, L = 2, 16, 16
NW = NC * NS
CHUNK = 128
NN = 10240
RPT = NN // NS

_mesh = plsc.VectorSubcoreMesh(
    core_axis_name="c", subcore_axis_name="s", num_cores=NC, num_subcores=NS
)


def _deg_body(dst_hbm, degp_hbm, dst_v, deg_v):
    c = lax.axis_index("c")
    s = lax.axis_index("s")
    wid = c * NS + s
    pltpu.sync_copy(dst_hbm.at[wid], dst_v)

    def zero_body(i, carry):
        deg_v[pl.ds(pl.multiple_of(i * L, L), L)] = jnp.zeros((L,), jnp.float32)
        return carry

    lax.fori_loop(0, NN // L, zero_body, 0)

    ones = jnp.ones((L,), jnp.float32)
    n_chunks = dst_v.shape[0]

    def chunk_body(ch, carry):
        for j in range(CHUNK // L):
            idx = dst_v[ch, pl.ds(j * L, L)]
            plsc.addupdate_scatter(deg_v, [idx], ones)
        return carry

    lax.fori_loop(0, n_chunks, chunk_body, 0)
    pltpu.sync_copy(deg_v, degp_hbm.at[wid])


def _msg_body(src_hbm, dst_hbm, y_hbm, p_hbm, src_v, dst_v, rows,
              acc_sh, sem_g, sem_s):
    c = lax.axis_index("c")
    s = lax.axis_index("s")
    wid = c * NS + s
    pltpu.sync_copy(src_hbm.at[wid], src_v)

    def zero_rows(r, carry):
        for j in range(D // L):
            rows[0][r, pl.ds(j * L, L)] = jnp.zeros((L,), jnp.float32)
        return carry

    lax.fori_loop(0, CHUNK, zero_rows, 0)
    base = pl.multiple_of(s * RPT, CHUNK)
    for k in range(RPT // CHUNK):
        pltpu.sync_copy(rows[0], acc_sh.at[pl.ds(base + k * CHUNK, CHUNK)])
    plsc.subcore_barrier()

    n = src_v.shape[0]
    hn = dst_v.shape[0]

    for h in range(2):
        pltpu.sync_copy(dst_hbm.at[wid].at[pl.ds(h * hn, hn)], dst_v)
        pltpu.async_copy(y_hbm.at[src_v.at[h * hn]], rows[0], sem_g[0])

        def chunk_body(g, carry):
            for b in range(2):
                lo = g * 2 + b
                ch = h * hn + lo
                pltpu.make_async_copy(
                    y_hbm.at[src_v.at[ch]], rows[b], sem_g[b]
                ).wait()
                if b == 1:
                    pltpu.make_async_copy(
                        rows[0], acc_sh.at[dst_v.at[lo - 1]], sem_s[0]
                    ).wait()
                else:

                    @pl.when(g > 0)
                    def _():
                        pltpu.make_async_copy(
                            rows[1], acc_sh.at[dst_v.at[lo - 1]], sem_s[1]
                        ).wait()

                if b == 0:
                    pltpu.async_copy(y_hbm.at[src_v.at[ch + 1]], rows[1], sem_g[1])
                else:

                    @pl.when(g < hn // 2 - 1)
                    def _():
                        pltpu.async_copy(
                            y_hbm.at[src_v.at[ch + 1]], rows[0], sem_g[0]
                        )

                pltpu.async_copy(rows[b], acc_sh.at[dst_v.at[lo]], sem_s[b],
                                 add=True)
            return carry

        lax.fori_loop(0, hn // 2, chunk_body, 0)
        pltpu.make_async_copy(
            rows[1], acc_sh.at[dst_v.at[hn - 1]], sem_s[1]
        ).wait()
    plsc.subcore_barrier()
    for k in range(RPT // CHUNK):
        pltpu.sync_copy(
            acc_sh.at[pl.ds(base + k * CHUNK, CHUNK)],
            p_hbm.at[c].at[pl.ds(base + k * CHUNK, CHUNK)],
        )


def _dense1_body(x_ref, w_ref, degpt_ref, y_ref):
    deg = jnp.sum(degpt_ref[...], axis=1, keepdims=True) + 1.0
    dis = lax.rsqrt(deg)
    xlin = jnp.dot(x_ref[...], w_ref[...], preferred_element_type=jnp.float32)
    y = xlin * dis[:N_NODES]
    y_ref[...] = jnp.concatenate(
        [y, jnp.zeros((NN - N_NODES, D), jnp.float32)], axis=0
    )


def _dense2_body(degpt_ref, y_ref, p_ref, b_ref, out_ref):
    deg = jnp.sum(degpt_ref[...], axis=1, keepdims=True) + 1.0
    dis = lax.rsqrt(deg)
    tot = p_ref[0, :N_NODES, :] + p_ref[1, :N_NODES, :] + y_ref[:N_NODES, :]
    out_ref[...] = jnp.maximum(dis[:N_NODES] * tot + b_ref[...][None, :], 0.0)


def kernel(x, edge_index, W, b):
    E = edge_index.shape[1]
    ept = -(-E // (NW * 4 * CHUNK)) * 4 * CHUNK
    epad = NW * ept - E
    src = edge_index[0].astype(jnp.int32)
    dst = edge_index[1].astype(jnp.int32)
    fill = jnp.full((epad,), N_NODES, jnp.int32)
    src_p = jnp.concatenate([src, fill]).reshape(NW, ept // CHUNK, CHUNK)
    dst_p = jnp.concatenate([dst, fill]).reshape(NW, ept // CHUNK, CHUNK)

    deg_call = pl.kernel(
        _deg_body,
        out_type=jax.ShapeDtypeStruct((NW, NN), jnp.float32),
        mesh=_mesh,
        scratch_types=[
            pltpu.VMEM((ept // CHUNK, CHUNK), jnp.int32),
            pltpu.VMEM((NN,), jnp.float32),
        ],
        compiler_params=pltpu.CompilerParams(needs_layout_passes=False),
    )
    degp = deg_call(dst_p)
    degpt = degp.T

    y = pl.pallas_call(
        _dense1_body,
        out_shape=jax.ShapeDtypeStruct((NN, D), jnp.float32),
    )(x, W, degpt)

    msg_call = pl.kernel(
        _msg_body,
        out_type=jax.ShapeDtypeStruct((NC, NN, D), jnp.float32),
        mesh=_mesh,
        scratch_types=[
            pltpu.VMEM((ept // CHUNK, CHUNK), jnp.int32),
            pltpu.VMEM((ept // CHUNK // 2, CHUNK), jnp.int32),
            [pltpu.VMEM((CHUNK, D), jnp.float32) for _ in range(2)],
            pltpu.VMEM_SHARED((NN, D), jnp.float32),
            [pltpu.SemaphoreType.DMA for _ in range(2)],
            [pltpu.SemaphoreType.DMA for _ in range(2)],
        ],
    )
    p = msg_call(src_p, dst_p, y)

    out = pl.pallas_call(
        _dense2_body,
        out_shape=jax.ShapeDtypeStruct((N_NODES, D), jnp.float32),
    )(degpt, y, p, b)
    return out

# --- scband reference (transcript-rebuilt; emitter-appended) ---
"""Pipeline reference for scband-crd-35390530519315 (READ-ONLY COPY).

The authoritative reference and input builder live on the scoring server;
editing this copy changes nothing except your own understanding.
"""

import jax, jax.numpy as jnp
import numpy as np

N_NODES = 10000
N_EDGES = 320000
D_IN = 128
D_OUT = 128


def setup_inputs(seed: int = 0) -> dict:
    key = jax.random.key(seed)
    k1, k2, k3 = jax.random.split(key, 3)
    x = jax.random.normal(k1, (N_NODES, D_IN), dtype=jnp.float32)
    edge_index = jax.random.randint(k2, (2, N_EDGES), 0, N_NODES, dtype=jnp.int64)
    # GCNConv linear weight (glorot-ish) and bias
    scale = 1.0 / np.sqrt(D_IN)
    W = jax.random.uniform(k3, (D_IN, D_OUT), dtype=jnp.float32, minval=-scale, maxval=scale)
    b = jnp.zeros((D_OUT,), dtype=jnp.float32)
    return {"x": x, "edge_index": edge_index, "W": W, "b": b}


def reference(x, edge_index, W, b):
    N = x.shape[0]
    # GCNConv with cached symmetric normalization and self-loops
    loop = jnp.arange(N, dtype=edge_index.dtype)
    src = jnp.concatenate([edge_index[0], loop])
    dst = jnp.concatenate([edge_index[1], loop])
    ones = jnp.ones(src.shape[0], dtype=jnp.float32)
    deg = jax.ops.segment_sum(ones, dst, num_segments=N)
    deg_inv_sqrt = jnp.where(deg > 0, jax.lax.rsqrt(jnp.maximum(deg, 1e-12)), 0.0)
    norm = deg_inv_sqrt[src] * deg_inv_sqrt[dst]
    # linear transform first (PyG GCNConv), then propagate (scatter-add over dst)
    x_lin = x @ W
    msgs = jnp.take(x_lin, src, axis=0) * norm[:, None]
    out = jax.ops.segment_sum(msgs, dst, num_segments=N) + b
    # CRD.forward: relu then dropout (identity in eval mode)
    return jax.nn.relu(out)

if __name__ == "__main__":
    import jax
    _d = setup_inputs()
    print(jax.jit(kernel)(*tuple(_d.values())))

</pallas_src>

<mosaic_0001>
#map = affine_map<(d0, d1) -> (0, 0, 0)>
#map1 = affine_map<(d0, d1) -> (0, 0)>
module attributes {stable_mosaic.version = 14 : i64} {
  func.func @_msg_body(%arg0: i32, %arg1: i32, %arg2: memref<32x80x128xi32, #tpu.memory_space<hbm>>, %arg3: memref<32x80x128xi32, #tpu.memory_space<hbm>>, %arg4: memref<10240x128xf32, #tpu.memory_space<hbm>>, %arg5: memref<2x10240x128xf32, #tpu.memory_space<hbm>>, %arg6: memref<80x128xi32, #tpu.memory_space<vmem>>, %arg7: memref<40x128xi32, #tpu.memory_space<vmem>>, %arg8: memref<128x128xf32, #tpu.memory_space<vmem>>, %arg9: memref<128x128xf32, #tpu.memory_space<vmem>>, %arg10: memref<10240x128xf32, #tpu.memory_space<vmem_shared>>, %arg11: memref<!tpu.dma_semaphore, #tpu.memory_space<semaphore_mem>>, %arg12: memref<!tpu.dma_semaphore, #tpu.memory_space<semaphore_mem>>, %arg13: memref<!tpu.dma_semaphore, #tpu.memory_space<semaphore_mem>>, %arg14: memref<!tpu.dma_semaphore, #tpu.memory_space<semaphore_mem>>) attributes {dimension_semantics = [#tpu.dimension_semantics<core_parallel>, #tpu.dimension_semantics<subcore_parallel>], iteration_bounds = array<i64: 2, 16>, scalar_prefetch = 0 : i64, scratch_operands = 9 : i64, tpu.core_type = #tpu.core_type<sc_vector_subcore>, window_params = [{transform_indices = #map}, {transform_indices = #map}, {transform_indices = #map1}, {transform_indices = #map}]} {
    %mul3A = arith.constant 16 : i32
    %mul3A_0 = arith.muli %arg0, %mul3A : i32
    %add3A = arith.addi %mul3A_0, %arg1 : i32
    "tpu.region"() ({
      %run_scoped3A = tpu.sem_alloc : memref<!tpu.dma_semaphore, #tpu.memory_space<semaphore_mem>>
      %dma_start3A_77 = arith.constant 0 : i32
      %dma_start3A_78 = arith.constant 0 : i32
      %dma_start3A_79 = tpu.memref_slice %arg2[%add3A, %dma_start3A_77, %dma_start3A_78] : memref<32x80x128xi32, #tpu.memory_space<hbm>> -> memref<1x80x128xi32, #tpu.memory_space<hbm>>
      %dma_start3A_80 = tpu.memref_squeeze %dma_start3A_79 : memref<1x80x128xi32, #tpu.memory_space<hbm>> -> memref<80x128xi32, #tpu.memory_space<hbm>>
      %dma_start3A_81 = arith.constant 0 : i32
      %dma_start3A_82 = arith.constant 0 : i32
      %dma_start3A_83 = tpu.memref_slice %arg2[%add3A, %dma_start3A_81, %dma_start3A_82] : memref<32x80x128xi32, #tpu.memory_space<hbm>> -> memref<1x80x128xi32, #tpu.memory_space<hbm>>
      %dma_start3A_84 = tpu.memref_squeeze %dma_start3A_83 : memref<1x80x128xi32, #tpu.memory_space<hbm>> -> memref<80x128xi32, #tpu.memory_space<hbm>>
      tpu.enqueue_dma source(%dma_start3A_84 : memref<80x128xi32, #tpu.memory_space<hbm>>) target(%arg6 : memref<80x128xi32, #tpu.memory_space<vmem>>) target_semaphore(%run_scoped3A : memref<!tpu.dma_semaphore, #tpu.memory_space<semaphore_mem>>)
      %dma_wait3A_85 = arith.constant 0 : i32
      %dma_wait3A_86 = arith.constant 0 : i32
      %dma_wait3A_87 = tpu.memref_slice %arg2[%add3A, %dma_wait3A_85, %dma_wait3A_86] : memref<32x80x128xi32, #tpu.memory_space<hbm>> -> memref<1x80x128xi32, #tpu.memory_space<hbm>>
      %dma_wait3A_88 = tpu.memref_squeeze %dma_wait3A_87 : memref<1x80x128xi32, #tpu.memory_space<hbm>> -> memref<80x128xi32, #tpu.memory_space<hbm>>
      %dma_wait3A_89 = arith.constant 0 : i32
      %dma_wait3A_90 = arith.constant 0 : i32
      %dma_wait3A_91 = tpu.memref_slice %arg2[%add3A, %dma_wait3A_89, %dma_wait3A_90] : memref<32x80x128xi32, #tpu.memory_space<hbm>> -> memref<1x80x128xi32, #tpu.memory_space<hbm>>
      %dma_wait3A_92 = tpu.memref_squeeze %dma_wait3A_91 : memref<1x80x128xi32, #tpu.memory_space<hbm>> -> memref<80x128xi32, #tpu.memory_space<hbm>>
      tpu.wait_dma2 semaphore(%run_scoped3A : memref<!tpu.dma_semaphore, #tpu.memory_space<semaphore_mem>>) src(%dma_wait3A_92 : memref<80x128xi32, #tpu.memory_space<hbm>>) dst(%arg6 : memref<80x128xi32, #tpu.memory_space<vmem>>)
      tpu.yield
    }) : () -> ()
    %scan3A = arith.constant 0 : i32
    %scan3A_1 = arith.constant 0 : i32
    %scan3A_2 = arith.constant 128 : i32
    %scan3A_3 = arith.addi %scan3A_1, %scan3A_2 : i32
    %scan3A_4 = arith.constant 1 : i32
    scf.for %scan3A_77 = %scan3A_1 to %scan3A_3 step %scan3A_4  : i32 {
      %broadcast_in_dim3A = arith.constant 0.000000e+00 : f32
      %broadcast_in_dim3A_78 = vector.broadcast %broadcast_in_dim3A : f32 to vector<16xf32>
      %swap3A = arith.index_cast %scan3A_77 : i32 to index
      %swap3A_79 = arith.constant 0 : index
      %swap3A_80 = tpu.vector_load %arg8[%swap3A, %swap3A_79] {strides = array<i32>} : memref<128x128xf32, #tpu.memory_space<vmem>>, vector<1x16xf32>,
      %swap3A_81 = vector.shape_cast %swap3A_80 : vector<1x16xf32> to vector<16xf32>
      %swap3A_82 = vector.shape_cast %broadcast_in_dim3A_78 : vector<16xf32> to vector<1x16xf32>
      tpu.vector_store %arg8[%swap3A, %swap3A_79], %swap3A_82 {strides = array<i32>} : memref<128x128xf32, #tpu.memory_space<vmem>>, vector<1x16xf32>,
      %broadcast_in_dim3A_83 = arith.constant 0.000000e+00 : f32
      %broadcast_in_dim3A_84 = vector.broadcast %broadcast_in_dim3A_83 : f32 to vector<16xf32>
      %swap3A_85 = arith.index_cast %scan3A_77 : i32 to index
      %swap3A_86 = arith.constant 16 : index
      %swap3A_87 = tpu.vector_load %arg8[%swap3A_85, %swap3A_86] {strides = array<i32>} : memref<128x128xf32, #tpu.memory_space<vmem>>, vector<1x16xf32>,
      %swap3A_88 = vector.shape_cast %swap3A_87 : vector<1x16xf32> to vector<16xf32>
      %swap3A_89 = vector.shape_cast %broadcast_in_dim3A_84 : vector<16xf32> to vector<1x16xf32>
      tpu.vector_store %arg8[%swap3A_85, %swap3A_86], %swap3A_89 {strides = array<i32>} : memref<128x128xf32, #tpu.memory_space<vmem>>, vector<1x16xf32>,
      %broadcast_in_dim3A_90 = arith.constant 0.000000e+00 : f32
      %broadcast_in_dim3A_91 = vector.broadcast %broadcast_in_dim3A_90 : f32 to vector<16xf32>
      %swap3A_92 = arith.index_cast %scan3A_77 : i32 to index
      %swap3A_93 = arith.constant 32 : index
      %swap3A_94 = tpu.vector_load %arg8[%swap3A_92, %swap3A_93] {strides = array<i32>} : memref<128x128xf32, #tpu.memory_space<vmem>>, vector<1x16xf32>,
      %swap3A_95 = vector.shape_cast %swap3A_94 : vector<1x16xf32> to vector<16xf32>
      %swap3A_96 = vector.shape_cast %broadcast_in_dim3A_91 : vector<16xf32> to vector<1x16xf32>
      tpu.vector_store %arg8[%swap3A_92, %swap3A_93], %swap3A_96 {strides = array<i32>} : memref<128x128xf32, #tpu.memory_space<vmem>>, vector<1x16xf32>,
      %broadcast_in_dim3A_97 = arith.constant 0.000000e+00 : f32
      %broadcast_in_dim3A_98 = vector.broadcast %broadcast_in_dim3A_97 : f32 to vector<16xf32>
      %swap3A_99 = arith.index_cast %scan3A_77 : i32 to index
      %swap3A_100 = arith.constant 48 : index
      %swap3A_101 = tpu.vector_load %arg8[%swap3A_99, %swap3A_100] {strides = array<i32>} : memref<128x128xf32, #tpu.memory_space<vmem>>, vector<1x16xf32>,
      %swap3A_102 = vector.shape_cast %swap3A_101 : vector<1x16xf32> to vector<16xf32>
      %swap3A_103 = vector.shape_cast %broadcast_in_dim3A_98 : vector<16xf32> to vector<1x16xf32>
      tpu.vector_store %arg8[%swap3A_99, %swap3A_100], %swap3A_103 {strides = array<i32>} : memref<128x128xf32, #tpu.memory_space<vmem>>, vector<1x16xf32>,
      %broadcast_in_dim3A_104 = arith.constant 0.000000e+00 : f32
      %broadcast_in_dim3A_105 = vector.broadcast %broadcast_in_dim3A_104 : f32 to vector<16xf32>
      %swap3A_106 = arith.index_cast %scan3A_77 : i32 to index
      %swap3A_107 = arith.constant 64 : index
      %swap3A_108 = tpu.vector_load %arg8[%swap3A_106, %swap3A_107] {strides = array<i32>} : memref<128x128xf32, #tpu.memory_space<vmem>>, vector<1x16xf32>,
      %swap3A_109 = vector.shape_cast %swap3A_108 : vector<1x16xf32> to vector<16xf32>
      %swap3A_110 = vector.shape_cast %broadcast_in_dim3A_105 : vector<16xf32> to vector<1x16xf32>
      tpu.vector_store %arg8[%swap3A_106, %swap3A_107], %swap3A_110 {strides = array<i32>} : memref<128x128xf32, #tpu.memory_space<vmem>>, vector<1x16xf32>,
      %broadcast_in_dim3A_111 = arith.constant 0.000000e+00 : f32
      %broadcast_in_dim3A_112 = vector.broadcast %broadcast_in_dim3A_111 : f32 to vector<16xf32>
      %swap3A_113 = arith.index_cast %scan3A_77 : i32 to index
      %swap3A_114 = arith.constant 80 : index
      %swap3A_115 = tpu.vector_load %arg8[%swap3A_113, %swap3A_114] {strides = array<i32>} : memref<128x128xf32, #tpu.memory_space<vmem>>, vector<1x16xf32>,
      %swap3A_116 = vector.shape_cast %swap3A_115 : vector<1x16xf32> to vector<16xf32>
      %swap3A_117 = vector.shape_cast %broadcast_in_dim3A_112 : vector<16xf32> to vector<1x16xf32>
      tpu.vector_store %arg8[%swap3A_113, %swap3A_114], %swap3A_117 {strides = array<i32>} : memref<128x128xf32, #tpu.memory_space<vmem>>, vector<1x16xf32>,
      %broadcast_in_dim3A_118 = arith.constant 0.000000e+00 : f32
      %broadcast_in_dim3A_119 = vector.broadcast %broadcast_in_dim3A_118 : f32 to vector<16xf32>
      %swap3A_120 = arith.index_cast %scan3A_77 : i32 to index
      %swap3A_121 = arith.constant 96 : index
      %swap3A_122 = tpu.vector_load %arg8[%swap3A_120, %swap3A_121] {strides = array<i32>} : memref<128x128xf32, #tpu.memory_space<vmem>>, vector<1x16xf32>,
      %swap3A_123 = vector.shape_cast %swap3A_122 : vector<1x16xf32> to vector<16xf32>
      %swap3A_124 = vector.shape_cast %broadcast_in_dim3A_119 : vector<16xf32> to vector<1x16xf32>
      tpu.vector_store %arg8[%swap3A_120, %swap3A_121], %swap3A_124 {strides = array<i32>} : memref<128x128xf32, #tpu.memory_space<vmem>>, vector<1x16xf32>,
      %broadcast_in_dim3A_125 = arith.constant 0.000000e+00 : f32
      %broadcast_in_dim3A_126 = vector.broadcast %broadcast_in_dim3A_125 : f32 to vector<16xf32>
      %swap3A_127 = arith.index_cast %scan3A_77 : i32 to index
      %swap3A_128 = arith.constant 112 : index
      %swap3A_129 = tpu.vector_load %arg8[%swap3A_127, %swap3A_128] {strides = array<i32>} : memref<128x128xf32, #tpu.memory_space<vmem>>, vector<1x16xf32>,
      %swap3A_130 = vector.shape_cast %swap3A_129 : vector<1x16xf32> to vector<16xf32>
      %swap3A_131 = vector.shape_cast %broadcast_in_dim3A_126 : vector<16xf32> to vector<1x16xf32>
      tpu.vector_store %arg8[%swap3A_127, %swap3A_128], %swap3A_131 {strides = array<i32>} : memref<128x128xf32, #tpu.memory_space<vmem>>, vector<1x16xf32>,
    }
    %scan3A_5 = arith.constant 128 : i32
    %mul3A_6 = arith.constant 640 : i32
    %mul3A_7 = arith.muli %arg1, %mul3A_6 : i32
    %multiple_of3A = tpu.assume_multiple %mul3A_7, 128 : i32
    %add3A_8 = arith.constant 0 : i32
    %add3A_9 = arith.addi %multiple_of3A, %add3A_8 : i32
    "tpu.region"() ({
      %run_scoped3A = tpu.sem_alloc : memref<!tpu.dma_semaphore, #tpu.memory_space<semaphore_mem>>
      %dma_start3A_77 = arith.constant 0 : i32
      %dma_start3A_78 = tpu.memref_slice %arg10[%add3A_9, %dma_start3A_77] : memref<10240x128xf32, #tpu.memory_space<vmem_shared>> -> memref<128x128xf32, #tpu.memory_space<vmem_shared>>
      %dma_start3A_79 = arith.constant 0 : i32
      %dma_start3A_80 = tpu.memref_slice %arg10[%add3A_9, %dma_start3A_79] : memref<10240x128xf32, #tpu.memory_space<vmem_shared>> -> memref<128x128xf32, #tpu.memory_space<vmem_shared>>
      tpu.enqueue_dma source(%arg8 : memref<128x128xf32, #tpu.memory_space<vmem>>) target(%dma_start3A_80 : memref<128x128xf32, #tpu.memory_space<vmem_shared>>) target_semaphore(%run_scoped3A : memref<!tpu.dma_semaphore, #tpu.memory_space<semaphore_mem>>)
      %dma_wait3A_81 = arith.constant 0 : i32
      %dma_wait3A_82 = tpu.memref_slice %arg10[%add3A_9, %dma_wait3A_81] : memref<10240x128xf32, #tpu.memory_space<vmem_shared>> -> memref<128x128xf32, #tpu.memory_space<vmem_shared>>
      %dma_wait3A_83 = arith.constant 0 : i32
      %dma_wait3A_84 = tpu.memref_slice %arg10[%add3A_9, %dma_wait3A_83] : memref<10240x128xf32, #tpu.memory_space<vmem_shared>> -> memref<128x128xf32, #tpu.memory_space<vmem_shared>>
      tpu.wait_dma2 semaphore(%run_scoped3A : memref<!tpu.dma_semaphore, #tpu.memory_space<semaphore_mem>>) src(%arg8 : memref<128x128xf32, #tpu.memory_space<vmem>>) dst(%dma_wait3A_84 : memref<128x128xf32, #tpu.memory_space<vmem_shared>>)
      tpu.yield
    }) : () -> ()
    %add3A_10 = arith.constant 128 : i32
    %add3A_11 = arith.addi %multiple_of3A, %add3A_10 : i32
    "tpu.region"() ({
      %run_scoped3A = tpu.sem_alloc : memref<!tpu.dma_semaphore, #tpu.memory_space<semaphore_mem>>
      %dma_start3A_77 = arith.constant 0 : i32
      %dma_start3A_78 = tpu.memref_slice %arg10[%add3A_11, %dma_start3A_77] : memref<10240x128xf32, #tpu.memory_space<vmem_shared>> -> memref<128x128xf32, #tpu.memory_space<vmem_shared>>
      %dma_start3A_79 = arith.constant 0 : i32
      %dma_start3A_80 = tpu.memref_slice %arg10[%add3A_11, %dma_start3A_79] : memref<10240x128xf32, #tpu.memory_space<vmem_shared>> -> memref<128x128xf32, #tpu.memory_space<vmem_shared>>
      tpu.enqueue_dma source(%arg8 : memref<128x128xf32, #tpu.memory_space<vmem>>) target(%dma_start3A_80 : memref<128x128xf32, #tpu.memory_space<vmem_shared>>) target_semaphore(%run_scoped3A : memref<!tpu.dma_semaphore, #tpu.memory_space<semaphore_mem>>)
      %dma_wait3A_81 = arith.constant 0 : i32
      %dma_wait3A_82 = tpu.memref_slice %arg10[%add3A_11, %dma_wait3A_81] : memref<10240x128xf32, #tpu.memory_space<vmem_shared>> -> memref<128x128xf32, #tpu.memory_space<vmem_shared>>
      %dma_wait3A_83 = arith.constant 0 : i32
      %dma_wait3A_84 = tpu.memref_slice %arg10[%add3A_11, %dma_wait3A_83] : memref<10240x128xf32, #tpu.memory_space<vmem_shared>> -> memref<128x128xf32, #tpu.memory_space<vmem_shared>>
      tpu.wait_dma2 semaphore(%run_scoped3A : memref<!tpu.dma_semaphore, #tpu.memory_space<semaphore_mem>>) src(%arg8 : memref<128x128xf32, #tpu.memory_space<vmem>>) dst(%dma_wait3A_84 : memref<128x128xf32, #tpu.memory_space<vmem_shared>>)
      tpu.yield
    }) : () -> ()
    %add3A_12 = arith.constant 256 : i32
    %add3A_13 = arith.addi %multiple_of3A, %add3A_12 : i32
    "tpu.region"() ({
      %run_scoped3A = tpu.sem_alloc : memref<!tpu.dma_semaphore, #tpu.memory_space<semaphore_mem>>
      %dma_start3A_77 = arith.constant 0 : i32
      %dma_start3A_78 = tpu.memref_slice %arg10[%add3A_13, %dma_start3A_77] : memref<10240x128xf32, #tpu.memory_space<vmem_shared>> -> memref<128x128xf32, #tpu.memory_space<vmem_shared>>
      %dma_start3A_79 = arith.constant 0 : i32
      %dma_start3A_80 = tpu.memref_slice %arg10[%add3A_13, %dma_start3A_79] : memref<10240x128xf32, #tpu.memory_space<vmem_shared>> -> memref<128x128xf32, #tpu.memory_space<vmem_shared>>
      tpu.enqueue_dma source(%arg8 : memref<128x128xf32, #tpu.memory_space<vmem>>) target(%dma_start3A_80 : memref<128x128xf32, #tpu.memory_space<vmem_shared>>) target_semaphore(%run_scoped3A : memref<!tpu.dma_semaphore, #tpu.memory_space<semaphore_mem>>)
      %dma_wait3A_81 = arith.constant 0 : i32
      %dma_wait3A_82 = tpu.memref_slice %arg10[%add3A_13, %dma_wait3A_81] : memref<10240x128xf32, #tpu.memory_space<vmem_shared>> -> memref<128x128xf32, #tpu.memory_space<vmem_shared>>
      %dma_wait3A_83 = arith.constant 0 : i32
      %dma_wait3A_84 = tpu.memref_slice %arg10[%add3A_13, %dma_wait3A_83] : memref<10240x128xf32, #tpu.memory_space<vmem_shared>> -> memref<128x128xf32, #tpu.memory_space<vmem_shared>>
      tpu.wait_dma2 semaphore(%run_scoped3A : memref<!tpu.dma_semaphore, #tpu.memory_space<semaphore_mem>>) src(%arg8 : memref<128x128xf32, #tpu.memory_space<vmem>>) dst(%dma_wait3A_84 : memref<128x128xf32, #tpu.memory_space<vmem_shared>>)
      tpu.yield
    }) : () -> ()
    %add3A_14 = arith.constant 384 : i32
    %add3A_15 = arith.addi %multiple_of3A, %add3A_14 : i32
    "tpu.region"() ({
      %run_scoped3A = tpu.sem_alloc : memref<!tpu.dma_semaphore, #tpu.memory_space<semaphore_mem>>
      %dma_start3A_77 = arith.constant 0 : i32
      %dma_start3A_78 = tpu.memref_slice %arg10[%add3A_15, %dma_start3A_77] : memref<10240x128xf32, #tpu.memory_space<vmem_shared>> -> memref<128x128xf32, #tpu.memory_space<vmem_shared>>
      %dma_start3A_79 = arith.constant 0 : i32
      %dma_start3A_80 = tpu.memref_slice %arg10[%add3A_15, %dma_start3A_79] : memref<10240x128xf32, #tpu.memory_space<vmem_shared>> -> memref<128x128xf32, #tpu.memory_space<vmem_shared>>
      tpu.enqueue_dma source(%arg8 : memref<128x128xf32, #tpu.memory_space<vmem>>) target(%dma_start3A_80 : memref<128x128xf32, #tpu.memory_space<vmem_shared>>) target_semaphore(%run_scoped3A : memref<!tpu.dma_semaphore, #tpu.memory_space<semaphore_mem>>)
      %dma_wait3A_81 = arith.constant 0 : i32
      %dma_wait3A_82 = tpu.memref_slice %arg10[%add3A_15, %dma_wait3A_81] : memref<10240x128xf32, #tpu.memory_space<vmem_shared>> -> memref<128x128xf32, #tpu.memory_space<vmem_shared>>
      %dma_wait3A_83 = arith.constant 0 : i32
      %dma_wait3A_84 = tpu.memref_slice %arg10[%add3A_15, %dma_wait3A_83] : memref<10240x128xf32, #tpu.memory_space<vmem_shared>> -> memref<128x128xf32, #tpu.memory_space<vmem_shared>>
      tpu.wait_dma2 semaphore(%run_scoped3A : memref<!tpu.dma_semaphore, #tpu.memory_space<semaphore_mem>>) src(%arg8 : memref<128x128xf32, #tpu.memory_space<vmem>>) dst(%dma_wait3A_84 : memref<128x128xf32, #tpu.memory_space<vmem_shared>>)
      tpu.yield
    }) : () -> ()
    %add3A_16 = arith.constant 512 : i32
    %add3A_17 = arith.addi %multiple_of3A, %add3A_16 : i32
    "tpu.region"() ({
      %run_scoped3A = tpu.sem_alloc : memref<!tpu.dma_semaphore, #tpu.memory_space<semaphore_mem>>
      %dma_start3A_77 = arith.constant 0 : i32
      %dma_start3A_78 = tpu.memref_slice %arg10[%add3A_17, %dma_start3A_77] : memref<10240x128xf32, #tpu.memory_space<vmem_shared>> -> memref<128x128xf32, #tpu.memory_space<vmem_shared>>
      %dma_start3A_79 = arith.constant 0 : i32
      %dma_start3A_80 = tpu.memref_slice %arg10[%add3A_17, %dma_start3A_79] : memref<10240x128xf32, #tpu.memory_space<vmem_shared>> -> memref<128x128xf32, #tpu.memory_space<vmem_shared>>
      tpu.enqueue_dma source(%arg8 : memref<128x128xf32, #tpu.memory_space<vmem>>) target(%dma_start3A_80 : memref<128x128xf32, #tpu.memory_space<vmem_shared>>) target_semaphore(%run_scoped3A : memref<!tpu.dma_semaphore, #tpu.memory_space<semaphore_mem>>)
      %dma_wait3A_81 = arith.constant 0 : i32
      %dma_wait3A_82 = tpu.memref_slice %arg10[%add3A_17, %dma_wait3A_81] : memref<10240x128xf32, #tpu.memory_space<vmem_shared>> -> memref<128x128xf32, #tpu.memory_space<vmem_shared>>
      %dma_wait3A_83 = arith.constant 0 : i32
      %dma_wait3A_84 = tpu.memref_slice %arg10[%add3A_17, %dma_wait3A_83] : memref<10240x128xf32, #tpu.memory_space<vmem_shared>> -> memref<128x128xf32, #tpu.memory_space<vmem_shared>>
      tpu.wait_dma2 semaphore(%run_scoped3A : memref<!tpu.dma_semaphore, #tpu.memory_space<semaphore_mem>>) src(%arg8 : memref<128x128xf32, #tpu.memory_space<vmem>>) dst(%dma_wait3A_84 : memref<128x128xf32, #tpu.memory_space<vmem_shared>>)
      tpu.yield
    }) : () -> ()
    %barrier3A = arith.constant 0 : index
    tpu.barrier barrier_id(%barrier3A)
    "tpu.region"() ({
      %run_scoped3A = tpu.sem_alloc : memref<!tpu.dma_semaphore, #tpu.memory_space<semaphore_mem>>
      %dma_start3A_77 = arith.constant 0 : i32
      %dma_start3A_78 = arith.constant 0 : i32
      %dma_start3A_79 = tpu.memref_slice %arg3[%add3A, %dma_start3A_77, %dma_start3A_78] : memref<32x80x128xi32, #tpu.memory_space<hbm>> -> memref<1x80x128xi32, #tpu.memory_space<hbm>>
      %dma_start3A_80 = tpu.memref_squeeze %dma_start3A_79 : memref<1x80x128xi32, #tpu.memory_space<hbm>> -> memref<80x128xi32, #tpu.memory_space<hbm>>
      %dma_start3A_81 = arith.constant 0 : i32
      %dma_start3A_82 = arith.constant 0 : i32
      %dma_start3A_83 = tpu.memref_slice %dma_start3A_80[%dma_start3A_81, %dma_start3A_82] : memref<80x128xi32, #tpu.memory_space<hbm>> -> memref<40x128xi32, #tpu.memory_space<hbm>>
      %dma_start3A_84 = arith.constant 0 : i32
      %dma_start3A_85 = arith.constant 0 : i32
      %dma_start3A_86 = tpu.memref_slice %arg3[%add3A, %dma_start3A_84, %dma_start3A_85] : memref<32x80x128xi32, #tpu.memory_space<hbm>> -> memref<1x80x128xi32, #tpu.memory_space<hbm>>
      %dma_start3A_87 = tpu.memref_squeeze %dma_start3A_86 : memref<1x80x128xi32, #tpu.memory_space<hbm>> -> memref<80x128xi32, #tpu.memory_space<hbm>>
      %dma_start3A_88 = arith.constant 0 : i32
      %dma_start3A_89 = arith.constant 0 : i32
      %dma_start3A_90 = tpu.memref_slice %dma_start3A_87[%dma_start3A_88, %dma_start3A_89] : memref<80x128xi32, #tpu.memory_space<hbm>> -> memref<40x128xi32, #tpu.memory_space<hbm>>
      tpu.enqueue_dma source(%dma_start3A_90 : memref<40x128xi32, #tpu.memory_space<hbm>>) target(%arg7 : memref<40x128xi32, #tpu.memory_space<vmem>>) target_semaphore(%run_scoped3A : memref<!tpu.dma_semaphore, #tpu.memory_space<semaphore_mem>>)
      %dma_wait3A_91 = arith.constant 0 : i32
      %dma_wait3A_92 = arith.constant 0 : i32
      %dma_wait3A_93 = tpu.memref_slice %arg3[%add3A, %dma_wait3A_91, %dma_wait3A_92] : memref<32x80x128xi32, #tpu.memory_space<hbm>> -> memref<1x80x128xi32, #tpu.memory_space<hbm>>
      %dma_wait3A_94 = tpu.memref_squeeze %dma_wait3A_93 : memref<1x80x128xi32, #tpu.memory_space<hbm>> -> memref<80x128xi32, #tpu.memory_space<hbm>>
      %dma_wait3A_95 = arith.constant 0 : i32
      %dma_wait3A_96 = arith.constant 0 : i32
      %dma_wait3A_97 = tpu.memref_slice %dma_wait3A_94[%dma_wait3A_95, %dma_wait3A_96] : memref<80x128xi32, #tpu.memory_space<hbm>> -> memref<40x128xi32, #tpu.memory_space<hbm>>
      %dma_wait3A_98 = arith.constant 0 : i32
      %dma_wait3A_99 = arith.constant 0 : i32
      %dma_wait3A_100 = tpu.memref_slice %arg3[%add3A, %dma_wait3A_98, %dma_wait3A_99] : memref<32x80x128xi32, #tpu.memory_space<hbm>> -> memref<1x80x128xi32, #tpu.memory_space<hbm>>
      %dma_wait3A_101 = tpu.memref_squeeze %dma_wait3A_100 : memref<1x80x128xi32, #tpu.memory_space<hbm>> -> memref<80x128xi32, #tpu.memory_space<hbm>>
      %dma_wait3A_102 = arith.constant 0 : i32
      %dma_wait3A_103 = arith.constant 0 : i32
      %dma_wait3A_104 = tpu.memref_slice %dma_wait3A_101[%dma_wait3A_102, %dma_wait3A_103] : memref<80x128xi32, #tpu.memory_space<hbm>> -> memref<40x128xi32, #tpu.memory_space<hbm>>
      tpu.wait_dma2 semaphore(%run_scoped3A : memref<!tpu.dma_semaphore, #tpu.memory_space<semaphore_mem>>) src(%dma_wait3A_104 : memref<40x128xi32, #tpu.memory_space<hbm>>) dst(%arg7 : memref<40x128xi32, #tpu.memory_space<vmem>>)
      tpu.yield
    }) : () -> ()
    %dma_start3A = arith.constant 0 : i32
    %dma_start3A_18 = arith.constant 0 : i32
    %dma_start3A_19 = tpu.memref_slice %arg6[%dma_start3A, %dma_start3A_18] : memref<80x128xi32, #tpu.memory_space<vmem>> -> memref<1x128xi32, #tpu.memory_space<vmem>>
    %dma_start3A_20 = tpu.memref_squeeze %dma_start3A_19 : memref<1x128xi32, #tpu.memory_space<vmem>> -> memref<128xi32, #tpu.memory_space<vmem>>
    %dma_start3A_21 = arith.constant 0 : i32
    %dma_start3A_22 = arith.constant 0 : i32
    %dma_start3A_23 = tpu.memref_slice %arg4[%dma_start3A_21, %dma_start3A_22] : memref<10240x128xf32, #tpu.memory_space<hbm>> -> memref<10240x128xf32, #tpu.memory_space<hbm>>
    tpu.enqueue_indirect_dma source(%dma_start3A_23 : memref<10240x128xf32, #tpu.memory_space<hbm>>) target(%arg8 : memref<128x128xf32, #tpu.memory_space<vmem>>) offsets(%dma_start3A_20 : memref<128xi32, #tpu.memory_space<vmem>>) semaphore(%arg11 : memref<!tpu.dma_semaphore, #tpu.memory_space<semaphore_mem>>)
    %scan3A_24 = arith.constant 0 : i32
    %scan3A_25 = arith.constant 0 : i32
    %scan3A_26 = arith.constant 20 : i32
    %scan3A_27 = arith.addi %scan3A_25, %scan3A_26 : i32
    %scan3A_28 = arith.constant 1 : i32
    scf.for %scan3A_77 = %scan3A_25 to %scan3A_27 step %scan3A_28  : i32 {
      %mul3A_78 = arith.constant 2 : i32
      %mul3A_79 = arith.muli %scan3A_77, %mul3A_78 : i32
      %add3A_80 = arith.constant 0 : i32
      %add3A_81 = arith.addi %mul3A_79, %add3A_80 : i32
      %add3A_82 = arith.constant 0 : i32
      %add3A_83 = arith.addi %add3A_82, %add3A_81 : i32
      %dma_wait3A_84 = arith.constant 0 : i32
      %dma_wait3A_85 = tpu.memref_slice %arg6[%add3A_83, %dma_wait3A_84] : memref<80x128xi32, #tpu.memory_space<vmem>> -> memref<1x128xi32, #tpu.memory_space<vmem>>
      %dma_wait3A_86 = tpu.memref_squeeze %dma_wait3A_85 : memref<1x128xi32, #tpu.memory_space<vmem>> -> memref<128xi32, #tpu.memory_space<vmem>>
      %dma_wait3A_87 = arith.constant 0 : i32
      %dma_wait3A_88 = arith.constant 0 : i32
      %dma_wait3A_89 = tpu.memref_slice %arg4[%dma_wait3A_87, %dma_wait3A_88] : memref<10240x128xf32, #tpu.memory_space<hbm>> -> memref<10240x128xf32, #tpu.memory_space<hbm>>
      tpu.wait_indirect_dma semaphore(%arg11 : memref<!tpu.dma_semaphore, #tpu.memory_space<semaphore_mem>>) src(%dma_wait3A_89 : memref<10240x128xf32, #tpu.memory_space<hbm>>) dst(%arg8 : memref<128x128xf32, #tpu.memory_space<vmem>>)
      %gt3A = arith.constant 0 : i32
      %gt3A_90 = arith.cmpi sgt, %scan3A_77, %gt3A : i32
      %convert_element_type3A = arith.extui %gt3A_90 : i1 to i32
      %cond3A = arith.constant 0 : i32
      %cond3A_91 = arith.cmpi ne, %convert_element_type3A, %cond3A : i32
      scf.if %cond3A_91 {
        %sub3A_135 = arith.constant 1 : i32
        %sub3A_136 = arith.subi %add3A_81, %sub3A_135 : i32
        %dma_wait3A_137 = arith.constant 0 : i32
        %dma_wait3A_138 = tpu.memref_slice %arg7[%sub3A_136, %dma_wait3A_137] : memref<40x128xi32, #tpu.memory_space<vmem>> -> memref<1x128xi32, #tpu.memory_space<vmem>>
        %dma_wait3A_139 = tpu.memref_squeeze %dma_wait3A_138 : memref<1x128xi32, #tpu.memory_space<vmem>> -> memref<128xi32, #tpu.memory_space<vmem>>
        %dma_wait3A_140 = arith.constant 0 : i32
        %dma_wait3A_141 = arith.constant 0 : i32
        %dma_wait3A_142 = tpu.memref_slice %arg10[%dma_wait3A_140, %dma_wait3A_141] : memref<10240x128xf32, #tpu.memory_space<vmem_shared>> -> memref<10240x128xf32, #tpu.memory_space<vmem_shared>>
        tpu.wait_indirect_dma semaphore(%arg14 : memref<!tpu.dma_semaphore, #tpu.memory_space<semaphore_mem>>) src(%arg9 : memref<128x128xf32, #tpu.memory_space<vmem>>) dst(%dma_wait3A_142 : memref<10240x128xf32, #tpu.memory_space<vmem_shared>>)
      } else {
      }
      %add3A_92 = arith.constant 1 : i32
      %add3A_93 = arith.addi %add3A_83, %add3A_92 : i32
      %dma_start3A_94 = arith.constant 0 : i32
      %dma_start3A_95 = tpu.memref_slice %arg6[%add3A_93, %dma_start3A_94] : memref<80x128xi32, #tpu.memory_space<vmem>> -> memref<1x128xi32, #tpu.memory_space<vmem>>
      %dma_start3A_96 = tpu.memref_squeeze %dma_start3A_95 : memref<1x128xi32, #tpu.memory_space<vmem>> -> memref<128xi32, #tpu.memory_space<vmem>>
      %dma_start3A_97 = arith.constant 0 : i32
      %dma_start3A_98 = arith.constant 0 : i32
      %dma_start3A_99 = tpu.memref_slice %arg4[%dma_start3A_97, %dma_start3A_98] : memref<10240x128xf32, #tpu.memory_space<hbm>> -> memref<10240x128xf32, #tpu.memory_space<hbm>>
      tpu.enqueue_indirect_dma source(%dma_start3A_99 : memref<10240x128xf32, #tpu.memory_space<hbm>>) target(%arg9 : memref<128x128xf32, #tpu.memory_space<vmem>>) offsets(%dma_start3A_96 : memref<128xi32, #tpu.memory_space<vmem>>) semaphore(%arg12 : memref<!tpu.dma_semaphore, #tpu.memory_space<semaphore_mem>>)
      %dma_start3A_100 = arith.constant 0 : i32
      %dma_start3A_101 = tpu.memref_slice %arg7[%add3A_81, %dma_start3A_100] : memref<40x128xi32, #tpu.memory_space<vmem>> -> memref<1x128xi32, #tpu.memory_space<vmem>>
      %dma_start3A_102 = tpu.memref_squeeze %dma_start3A_101 : memref<1x128xi32, #tpu.memory_space<vmem>> -> memref<128xi32, #tpu.memory_space<vmem>>
      %dma_start3A_103 = arith.constant 0 : i32
      %dma_start3A_104 = arith.constant 0 : i32
      %dma_start3A_105 = tpu.memref_slice %arg10[%dma_start3A_103, %dma_start3A_104] : memref<10240x128xf32, #tpu.memory_space<vmem_shared>> -> memref<10240x128xf32, #tpu.memory_space<vmem_shared>>
      tpu.enqueue_indirect_dma source(%arg8 : memref<128x128xf32, #tpu.memory_space<vmem>>) target(%dma_start3A_105 : memref<10240x128xf32, #tpu.memory_space<vmem_shared>>) offsets(%dma_start3A_102 : memref<128xi32, #tpu.memory_space<vmem>>) semaphore(%arg13 : memref<!tpu.dma_semaphore, #tpu.memory_space<semaphore_mem>>) {add = true}
      %mul3A_106 = arith.constant 2 : i32
      %mul3A_107 = arith.muli %scan3A_77, %mul3A_106 : i32
      %add3A_108 = arith.constant 1 : i32
      %add3A_109 = arith.addi %mul3A_107, %add3A_108 : i32
      %add3A_110 = arith.constant 0 : i32
      %add3A_111 = arith.addi %add3A_110, %add3A_109 : i32
      %dma_wait3A_112 = arith.constant 0 : i32
      %dma_wait3A_113 = tpu.memref_slice %arg6[%add3A_111, %dma_wait3A_112] : memref<80x128xi32, #tpu.memory_space<vmem>> -> memref<1x128xi32, #tpu.memory_space<vmem>>
      %dma_wait3A_114 = tpu.memref_squeeze %dma_wait3A_113 : memref<1x128xi32, #tpu.memory_space<vmem>> -> memref<128xi32, #tpu.memory_space<vmem>>
      %dma_wait3A_115 = arith.constant 0 : i32
      %dma_wait3A_116 = arith.constant 0 : i32
      %dma_wait3A_117 = tpu.memref_slice %arg4[%dma_wait3A_115, %dma_wait3A_116] : memref<10240x128xf32, #tpu.memory_space<hbm>> -> memref<10240x128xf32, #tpu.memory_space<hbm>>
      tpu.wait_indirect_dma semaphore(%arg12 : memref<!tpu.dma_semaphore, #tpu.memory_space<semaphore_mem>>) src(%dma_wait3A_117 : memref<10240x128xf32, #tpu.memory_space<hbm>>) dst(%arg9 : memref<128x128xf32, #tpu.memory_space<vmem>>)
      %sub3A = arith.constant 1 : i32
      %sub3A_118 = arith.subi %add3A_109, %sub3A : i32
      %dma_wait3A_119 = arith.constant 0 : i32
      %dma_wait3A_120 = tpu.memref_slice %arg7[%sub3A_118, %dma_wait3A_119] : memref<40x128xi32, #tpu.memory_space<vmem>> -> memref<1x128xi32, #tpu.memory_space<vmem>>
      %dma_wait3A_121 = tpu.memref_squeeze %dma_wait3A_120 : memref<1x128xi32, #tpu.memory_space<vmem>> -> memref<128xi32, #tpu.memory_space<vmem>>
      %dma_wait3A_122 = arith.constant 0 : i32
      %dma_wait3A_123 = arith.constant 0 : i32
      %dma_wait3A_124 = tpu.memref_slice %arg10[%dma_wait3A_122, %dma_wait3A_123] : memref<10240x128xf32, #tpu.memory_space<vmem_shared>> -> memref<10240x128xf32, #tpu.memory_space<vmem_shared>>
      tpu.wait_indirect_dma semaphore(%arg13 : memref<!tpu.dma_semaphore, #tpu.memory_space<semaphore_mem>>) src(%arg8 : memref<128x128xf32, #tpu.memory_space<vmem>>) dst(%dma_wait3A_124 : memref<10240x128xf32, #tpu.memory_space<vmem_shared>>)
      %lt3A = arith.constant 19 : i32
      %lt3A_125 = arith.cmpi slt, %scan3A_77, %lt3A : i32
      %convert_element_type3A_126 = arith.extui %lt3A_125 : i1 to i32
      %cond3A_127 = arith.constant 0 : i32
      %cond3A_128 = arith.cmpi ne, %convert_element_type3A_126, %cond3A_127 : i32
      scf.if %cond3A_128 {
        %add3A_135 = arith.constant 1 : i32
        %add3A_136 = arith.addi %add3A_111, %add3A_135 : i32
        %dma_start3A_137 = arith.constant 0 : i32
        %dma_start3A_138 = tpu.memref_slice %arg6[%add3A_136, %dma_start3A_137] : memref<80x128xi32, #tpu.memory_space<vmem>> -> memref<1x128xi32, #tpu.memory_space<vmem>>
        %dma_start3A_139 = tpu.memref_squeeze %dma_start3A_138 : memref<1x128xi32, #tpu.memory_space<vmem>> -> memref<128xi32, #tpu.memory_space<vmem>>
        %dma_start3A_140 = arith.constant 0 : i32
        %dma_start3A_141 = arith.constant 0 : i32
        %dma_start3A_142 = tpu.memref_slice %arg4[%dma_start3A_140, %dma_start3A_141] : memref<10240x128xf32, #tpu.memory_space<hbm>> -> memref<10240x128xf32, #tpu.memory_space<hbm>>
        tpu.enqueue_indirect_dma source(%dma_start3A_142 : memref<10240x128xf32, #tpu.memory_space<hbm>>) target(%arg8 : memref<128x128xf32, #tpu.memory_space<vmem>>) offsets(%dma_start3A_139 : memref<128xi32, #tpu.memory_space<vmem>>) semaphore(%arg11 : memref<!tpu.dma_semaphore, #tpu.memory_space<semaphore_mem>>)
      } else {
      }
      %dma_start3A_129 = arith.constant 0 : i32
      %dma_start3A_130 = tpu.memref_slice %arg7[%add3A_109, %dma_start3A_129] : memref<40x128xi32, #tpu.memory_space<vmem>> -> memref<1x128xi32, #tpu.memory_space<vmem>>
      %dma_start3A_131 = tpu.memref_squeeze %dma_start3A_130 : memref<1x128xi32, #tpu.memory_space<vmem>> -> memref<128xi32, #tpu.memory_space<vmem>>
      %dma_start3A_132 = arith.constant 0 : i32
      %dma_start3A_133 = arith.constant 0 : i32
      %dma_start3A_134 = tpu.memref_slice %arg10[%dma_start3A_132, %dma_start3A_133] : memref<10240x128xf32, #tpu.memory_space<vmem_shared>> -> memref<10240x128xf32, #tpu.memory_space<vmem_shared>>
      tpu.enqueue_indirect_dma source(%arg9 : memref<128x128xf32, #tpu.memory_space<vmem>>) target(%dma_start3A_134 : memref<10240x128xf32, #tpu.memory_space<vmem_shared>>) offsets(%dma_start3A_131 : memref<128xi32, #tpu.memory_space<vmem>>) semaphore(%arg14 : memref<!tpu.dma_semaphore, #tpu.memory_space<semaphore_mem>>) {add = true}
    }
    %scan3A_29 = arith.constant 20 : i32
    %dma_wait3A = arith.constant 39 : i32
    %dma_wait3A_30 = arith.constant 0 : i32
    %dma_wait3A_31 = tpu.memref_slice %arg7[%dma_wait3A, %dma_wait3A_30] : memref<40x128xi32, #tpu.memory_space<vmem>> -> memref<1x128xi32, #tpu.memory_space<vmem>>
    %dma_wait3A_32 = tpu.memref_squeeze %dma_wait3A_31 : memref<1x128xi32, #tpu.memory_space<vmem>> -> memref<128xi32, #tpu.memory_space<vmem>>
    %dma_wait3A_33 = arith.constant 0 : i32
    %dma_wait3A_34 = arith.constant 0 : i32
    %dma_wait3A_35 = tpu.memref_slice %arg10[%dma_wait3A_33, %dma_wait3A_34] : memref<10240x128xf32, #tpu.memory_space<vmem_shared>> -> memref<10240x128xf32, #tpu.memory_space<vmem_shared>>
    tpu.wait_indirect_dma semaphore(%arg14 : memref<!tpu.dma_semaphore, #tpu.memory_space<semaphore_mem>>) src(%arg9 : memref<128x128xf32, #tpu.memory_space<vmem>>) dst(%dma_wait3A_35 : memref<10240x128xf32, #tpu.memory_space<vmem_shared>>)
    "tpu.region"() ({
      %run_scoped3A = tpu.sem_alloc : memref<!tpu.dma_semaphore, #tpu.memory_space<semaphore_mem>>
      %dma_start3A_77 = arith.constant 0 : i32
      %dma_start3A_78 = arith.constant 0 : i32
      %dma_start3A_79 = tpu.memref_slice %arg3[%add3A, %dma_start3A_77, %dma_start3A_78] : memref<32x80x128xi32, #tpu.memory_space<hbm>> -> memref<1x80x128xi32, #tpu.memory_space<hbm>>
      %dma_start3A_80 = tpu.memref_squeeze %dma_start3A_79 : memref<1x80x128xi32, #tpu.memory_space<hbm>> -> memref<80x128xi32, #tpu.memory_space<hbm>>
      %dma_start3A_81 = arith.constant 40 : i32
      %dma_start3A_82 = arith.constant 0 : i32
      %dma_start3A_83 = tpu.memref_slice %dma_start3A_80[%dma_start3A_81, %dma_start3A_82] : memref<80x128xi32, #tpu.memory_space<hbm>> -> memref<40x128xi32, #tpu.memory_space<hbm>>
      %dma_start3A_84 = arith.constant 0 : i32
      %dma_start3A_85 = arith.constant 0 : i32
      %dma_start3A_86 = tpu.memref_slice %arg3[%add3A, %dma_start3A_84, %dma_start3A_85] : memref<32x80x128xi32, #tpu.memory_space<hbm>> -> memref<1x80x128xi32, #tpu.memory_space<hbm>>
      %dma_start3A_87 = tpu.memref_squeeze %dma_start3A_86 : memref<1x80x128xi32, #tpu.memory_space<hbm>> -> memref<80x128xi32, #tpu.memory_space<hbm>>
      %dma_start3A_88 = arith.constant 40 : i32
      %dma_start3A_89 = arith.constant 0 : i32
      %dma_start3A_90 = tpu.memref_slice %dma_start3A_87[%dma_start3A_88, %dma_start3A_89] : memref<80x128xi32, #tpu.memory_space<hbm>> -> memref<40x128xi32, #tpu.memory_space<hbm>>
      tpu.enqueue_dma source(%dma_start3A_90 : memref<40x128xi32, #tpu.memory_space<hbm>>) target(%arg7 : memref<40x128xi32, #tpu.memory_space<vmem>>) target_semaphore(%run_scoped3A : memref<!tpu.dma_semaphore, #tpu.memory_space<semaphore_mem>>)
      %dma_wait3A_91 = arith.constant 0 : i32
      %dma_wait3A_92 = arith.constant 0 : i32
      %dma_wait3A_93 = tpu.memref_slice %arg3[%add3A, %dma_wait3A_91, %dma_wait3A_92] : memref<32x80x128xi32, #tpu.memory_space<hbm>> -> memref<1x80x128xi32, #tpu.memory_space<hbm>>
      %dma_wait3A_94 = tpu.memref_squeeze %dma_wait3A_93 : memref<1x80x128xi32, #tpu.memory_space<hbm>> -> memref<80x128xi32, #tpu.memory_space<hbm>>
      %dma_wait3A_95 = arith.constant 40 : i32
      %dma_wait3A_96 = arith.constant 0 : i32
      %dma_wait3A_97 = tpu.memref_slice %dma_wait3A_94[%dma_wait3A_95, %dma_wait3A_96] : memref<80x128xi32, #tpu.memory_space<hbm>> -> memref<40x128xi32, #tpu.memory_space<hbm>>
      %dma_wait3A_98 = arith.constant 0 : i32
      %dma_wait3A_99 = arith.constant 0 : i32
      %dma_wait3A_100 = tpu.memref_slice %arg3[%add3A, %dma_wait3A_98, %dma_wait3A_99] : memref<32x80x128xi32, #tpu.memory_space<hbm>> -> memref<1x80x128xi32, #tpu.memory_space<hbm>>
      %dma_wait3A_101 = tpu.memref_squeeze %dma_wait3A_100 : memref<1x80x128xi32, #tpu.memory_space<hbm>> -> memref<80x128xi32, #tpu.memory_space<hbm>>
      %dma_wait3A_102 = arith.constant 40 : i32
      %dma_wait3A_103 = arith.constant 0 : i32
      %dma_wait3A_104 = tpu.memref_slice %dma_wait3A_101[%dma_wait3A_102, %dma_wait3A_103] : memref<80x128xi32, #tpu.memory_space<hbm>> -> memref<40x128xi32, #tpu.memory_space<hbm>>
      tpu.wait_dma2 semaphore(%run_scoped3A : memref<!tpu.dma_semaphore, #tpu.memory_space<semaphore_mem>>) src(%dma_wait3A_104 : memref<40x128xi32, #tpu.memory_space<hbm>>) dst(%arg7 : memref<40x128xi32, #tpu.memory_space<vmem>>)
      tpu.yield
    }) : () -> ()
    %dma_start3A_36 = arith.constant 40 : i32
    %dma_start3A_37 = arith.constant 0 : i32
    %dma_start3A_38 = tpu.memref_slice %arg6[%dma_start3A_36, %dma_start3A_37] : memref<80x128xi32, #tpu.memory_space<vmem>> -> memref<1x128xi32, #tpu.memory_space<vmem>>
    %dma_start3A_39 = tpu.memref_squeeze %dma_start3A_38 : memref<1x128xi32, #tpu.memory_space<vmem>> -> memref<128xi32, #tpu.memory_space<vmem>>
    %dma_start3A_40 = arith.constant 0 : i32
    %dma_start3A_41 = arith.constant 0 : i32
    %dma_start3A_42 = tpu.memref_slice %arg4[%dma_start3A_40, %dma_start3A_41] : memref<10240x128xf32, #tpu.memory_space<hbm>> -> memref<10240x128xf32, #tpu.memory_space<hbm>>
    tpu.enqueue_indirect_dma source(%dma_start3A_42 : memref<10240x128xf32, #tpu.memory_space<hbm>>) target(%arg8 : memref<128x128xf32, #tpu.memory_space<vmem>>) offsets(%dma_start3A_39 : memref<128xi32, #tpu.memory_space<vmem>>) semaphore(%arg11 : memref<!tpu.dma_semaphore, #tpu.memory_space<semaphore_mem>>)
    %scan3A_43 = arith.constant 0 : i32
    %scan3A_44 = arith.constant 0 : i32
    %scan3A_45 = arith.constant 20 : i32
    %scan3A_46 = arith.addi %scan3A_44, %scan3A_45 : i32
    %scan3A_47 = arith.constant 1 : i32
    scf.for %scan3A_77 = %scan3A_44 to %scan3A_46 step %scan3A_47  : i32 {
      %mul3A_78 = arith.constant 2 : i32
      %mul3A_79 = arith.muli %scan3A_77, %mul3A_78 : i32
      %add3A_80 = arith.constant 0 : i32
      %add3A_81 = arith.addi %mul3A_79, %add3A_80 : i32
      %add3A_82 = arith.constant 40 : i32
      %add3A_83 = arith.addi %add3A_82, %add3A_81 : i32
      %dma_wait3A_84 = arith.constant 0 : i32
      %dma_wait3A_85 = tpu.memref_slice %arg6[%add3A_83, %dma_wait3A_84] : memref<80x128xi32, #tpu.memory_space<vmem>> -> memref<1x128xi32, #tpu.memory_space<vmem>>
      %dma_wait3A_86 = tpu.memref_squeeze %dma_wait3A_85 : memref<1x128xi32, #tpu.memory_space<vmem>> -> memref<128xi32, #tpu.memory_space<vmem>>
      %dma_wait3A_87 = arith.constant 0 : i32
      %dma_wait3A_88 = arith.constant 0 : i32
      %dma_wait3A_89 = tpu.memref_slice %arg4[%dma_wait3A_87, %dma_wait3A_88] : memref<10240x128xf32, #tpu.memory_space<hbm>> -> memref<10240x128xf32, #tpu.memory_space<hbm>>
      tpu.wait_indirect_dma semaphore(%arg11 : memref<!tpu.dma_semaphore, #tpu.memory_space<semaphore_mem>>) src(%dma_wait3A_89 : memref<10240x128xf32, #tpu.memory_space<hbm>>) dst(%arg8 : memref<128x128xf32, #tpu.memory_space<vmem>>)
      %gt3A = arith.constant 0 : i32
      %gt3A_90 = arith.cmpi sgt, %scan3A_77, %gt3A : i32
      %convert_element_type3A = arith.extui %gt3A_90 : i1 to i32
      %cond3A = arith.constant 0 : i32
      %cond3A_91 = arith.cmpi ne, %convert_element_type3A, %cond3A : i32
      scf.if %cond3A_91 {
        %sub3A_135 = arith.constant 1 : i32
        %sub3A_136 = arith.subi %add3A_81, %sub3A_135 : i32
        %dma_wait3A_137 = arith.constant 0 : i32
        %dma_wait3A_138 = tpu.memref_slice %arg7[%sub3A_136, %dma_wait3A_137] : memref<40x128xi32, #tpu.memory_space<vmem>> -> memref<1x128xi32, #tpu.memory_space<vmem>>
        %dma_wait3A_139 = tpu.memref_squeeze %dma_wait3A_138 : memref<1x128xi32, #tpu.memory_space<vmem>> -> memref<128xi32, #tpu.memory_space<vmem>>
        %dma_wait3A_140 = arith.constant 0 : i32
        %dma_wait3A_141 = arith.constant 0 : i32
        %dma_wait3A_142 = tpu.memref_slice %arg10[%dma_wait3A_140, %dma_wait3A_141] : memref<10240x128xf32, #tpu.memory_space<vmem_shared>> -> memref<10240x128xf32, #tpu.memory_space<vmem_shared>>
        tpu.wait_indirect_dma semaphore(%arg14 : memref<!tpu.dma_semaphore, #tpu.memory_space<semaphore_mem>>) src(%arg9 : memref<128x128xf32, #tpu.memory_space<vmem>>) dst(%dma_wait3A_142 : memref<10240x128xf32, #tpu.memory_space<vmem_shared>>)
      } else {
      }
      %add3A_92 = arith.constant 1 : i32
      %add3A_93 = arith.addi %add3A_83, %add3A_92 : i32
      %dma_start3A_94 = arith.constant 0 : i32
      %dma_start3A_95 = tpu.memref_slice %arg6[%add3A_93, %dma_start3A_94] : memref<80x128xi32, #tpu.memory_space<vmem>> -> memref<1x128xi32, #tpu.memory_space<vmem>>
      %dma_start3A_96 = tpu.memref_squeeze %dma_start3A_95 : memref<1x128xi32, #tpu.memory_space<vmem>> -> memref<128xi32, #tpu.memory_space<vmem>>
      %dma_start3A_97 = arith.constant 0 : i32
      %dma_start3A_98 = arith.constant 0 : i32
      %dma_start3A_99 = tpu.memref_slice %arg4[%dma_start3A_97, %dma_start3A_98] : memref<10240x128xf32, #tpu.memory_space<hbm>> -> memref<10240x128xf32, #tpu.memory_space<hbm>>
      tpu.enqueue_indirect_dma source(%dma_start3A_99 : memref<10240x128xf32, #tpu.memory_space<hbm>>) target(%arg9 : memref<128x128xf32, #tpu.memory_space<vmem>>) offsets(%dma_start3A_96 : memref<128xi32, #tpu.memory_space<vmem>>) semaphore(%arg12 : memref<!tpu.dma_semaphore, #tpu.memory_space<semaphore_mem>>)
      %dma_start3A_100 = arith.constant 0 : i32
      %dma_start3A_101 = tpu.memref_slice %arg7[%add3A_81, %dma_start3A_100] : memref<40x128xi32, #tpu.memory_space<vmem>> -> memref<1x128xi32, #tpu.memory_space<vmem>>
      %dma_start3A_102 = tpu.memref_squeeze %dma_start3A_101 : memref<1x128xi32, #tpu.memory_space<vmem>> -> memref<128xi32, #tpu.memory_space<vmem>>
      %dma_start3A_103 = arith.constant 0 : i32
      %dma_start3A_104 = arith.constant 0 : i32
      %dma_start3A_105 = tpu.memref_slice %arg10[%dma_start3A_103, %dma_start3A_104] : memref<10240x128xf32, #tpu.memory_space<vmem_shared>> -> memref<10240x128xf32, #tpu.memory_space<vmem_shared>>
      tpu.enqueue_indirect_dma source(%arg8 : memref<128x128xf32, #tpu.memory_space<vmem>>) target(%dma_start3A_105 : memref<10240x128xf32, #tpu.memory_space<vmem_shared>>) offsets(%dma_start3A_102 : memref<128xi32, #tpu.memory_space<vmem>>) semaphore(%arg13 : memref<!tpu.dma_semaphore, #tpu.memory_space<semaphore_mem>>) {add = true}
      %mul3A_106 = arith.constant 2 : i32
      %mul3A_107 = arith.muli %scan3A_77, %mul3A_106 : i32
      %add3A_108 = arith.constant 1 : i32
      %add3A_109 = arith.addi %mul3A_107, %add3A_108 : i32
      %add3A_110 = arith.constant 40 : i32
      %add3A_111 = arith.addi %add3A_110, %add3A_109 : i32
      %dma_wait3A_112 = arith.constant 0 : i32
      %dma_wait3A_113 = tpu.memref_slice %arg6[%add3A_111, %dma_wait3A_112] : memref<80x128xi32, #tpu.memory_space<vmem>> -> memref<1x128xi32, #tpu.memory_space<vmem>>
      %dma_wait3A_114 = tpu.memref_squeeze %dma_wait3A_113 : memref<1x128xi32, #tpu.memory_space<vmem>> -> memref<128xi32, #tpu.memory_space<vmem>>
      %dma_wait3A_115 = arith.constant 0 : i32
      %dma_wait3A_116 = arith.constant 0 : i32
      %dma_wait3A_117 = tpu.memref_slice %arg4[%dma_wait3A_115, %dma_wait3A_116] : memref<10240x128xf32, #tpu.memory_space<hbm>> -> memref<10240x128xf32, #tpu.memory_space<hbm>>
      tpu.wait_indirect_dma semaphore(%arg12 : memref<!tpu.dma_semaphore, #tpu.memory_space<semaphore_mem>>) src(%dma_wait3A_117 : memref<10240x128xf32, #tpu.memory_space<hbm>>) dst(%arg9 : memref<128x128xf32, #tpu.memory_space<vmem>>)
      %sub3A = arith.constant 1 : i32
      %sub3A_118 = arith.subi %add3A_109, %sub3A : i32
      %dma_wait3A_119 = arith.constant 0 : i32
      %dma_wait3A_120 = tpu.memref_slice %arg7[%sub3A_118, %dma_wait3A_119] : memref<40x128xi32, #tpu.memory_space<vmem>> -> memref<1x128xi32, #tpu.memory_space<vmem>>
      %dma_wait3A_121 = tpu.memref_squeeze %dma_wait3A_120 : memref<1x128xi32, #tpu.memory_space<vmem>> -> memref<128xi32, #tpu.memory_space<vmem>>
      %dma_wait3A_122 = arith.constant 0 : i32
      %dma_wait3A_123 = arith.constant 0 : i32
      %dma_wait3A_124 = tpu.memref_slice %arg10[%dma_wait3A_122, %dma_wait3A_123] : memref<10240x128xf32, #tpu.memory_space<vmem_shared>> -> memref<10240x128xf32, #tpu.memory_space<vmem_shared>>
      tpu.wait_indirect_dma semaphore(%arg13 : memref<!tpu.dma_semaphore, #tpu.memory_space<semaphore_mem>>) src(%arg8 : memref<128x128xf32, #tpu.memory_space<vmem>>) dst(%dma_wait3A_124 : memref<10240x128xf32, #tpu.memory_space<vmem_shared>>)
      %lt3A = arith.constant 19 : i32
      %lt3A_125 = arith.cmpi slt, %scan3A_77, %lt3A : i32
      %convert_element_type3A_126 = arith.extui %lt3A_125 : i1 to i32
      %cond3A_127 = arith.constant 0 : i32
      %cond3A_128 = arith.cmpi ne, %convert_element_type3A_126, %cond3A_127 : i32
      scf.if %cond3A_128 {
        %add3A_135 = arith.constant 1 : i32
        %add3A_136 = arith.addi %add3A_111, %add3A_135 : i32
        %dma_start3A_137 = arith.constant 0 : i32
        %dma_start3A_138 = tpu.memref_slice %arg6[%add3A_136, %dma_start3A_137] : memref<80x128xi32, #tpu.memory_space<vmem>> -> memref<1x128xi32, #tpu.memory_space<vmem>>
        %dma_start3A_139 = tpu.memref_squeeze %dma_start3A_138 : memref<1x128xi32, #tpu.memory_space<vmem>> -> memref<128xi32, #tpu.memory_space<vmem>>
        %dma_start3A_140 = arith.constant 0 : i32
        %dma_start3A_141 = arith.constant 0 : i32
        %dma_start3A_142 = tpu.memref_slice %arg4[%dma_start3A_140, %dma_start3A_141] : memref<10240x128xf32, #tpu.memory_space<hbm>> -> memref<10240x128xf32, #tpu.memory_space<hbm>>
        tpu.enqueue_indirect_dma source(%dma_start3A_142 : memref<10240x128xf32, #tpu.memory_space<hbm>>) target(%arg8 : memref<128x128xf32, #tpu.memory_space<vmem>>) offsets(%dma_start3A_139 : memref<128xi32, #tpu.memory_space<vmem>>) semaphore(%arg11 : memref<!tpu.dma_semaphore, #tpu.memory_space<semaphore_mem>>)
      } else {
      }
      %dma_start3A_129 = arith.constant 0 : i32
      %dma_start3A_130 = tpu.memref_slice %arg7[%add3A_109, %dma_start3A_129] : memref<40x128xi32, #tpu.memory_space<vmem>> -> memref<1x128xi32, #tpu.memory_space<vmem>>
      %dma_start3A_131 = tpu.memref_squeeze %dma_start3A_130 : memref<1x128xi32, #tpu.memory_space<vmem>> -> memref<128xi32, #tpu.memory_space<vmem>>
      %dma_start3A_132 = arith.constant 0 : i32
      %dma_start3A_133 = arith.constant 0 : i32
      %dma_start3A_134 = tpu.memref_slice %arg10[%dma_start3A_132, %dma_start3A_133] : memref<10240x128xf32, #tpu.memory_space<vmem_shared>> -> memref<10240x128xf32, #tpu.memory_space<vmem_shared>>
      tpu.enqueue_indirect_dma source(%arg9 : memref<128x128xf32, #tpu.memory_space<vmem>>) target(%dma_start3A_134 : memref<10240x128xf32, #tpu.memory_space<vmem_shared>>) offsets(%dma_start3A_131 : memref<128xi32, #tpu.memory_space<vmem>>) semaphore(%arg14 : memref<!tpu.dma_semaphore, #tpu.memory_space<semaphore_mem>>) {add = true}
    }
    %scan3A_48 = arith.constant 20 : i32
    %dma_wait3A_49 = arith.constant 39 : i32
    %dma_wait3A_50 = arith.constant 0 : i32
    %dma_wait3A_51 = tpu.memref_slice %arg7[%dma_wait3A_49, %dma_wait3A_50] : memref<40x128xi32, #tpu.memory_space<vmem>> -> memref<1x128xi32, #tpu.memory_space<vmem>>
    %dma_wait3A_52 = tpu.memref_squeeze %dma_wait3A_51 : memref<1x128xi32, #tpu.memory_space<vmem>> -> memref<128xi32, #tpu.memory_space<vmem>>
    %dma_wait3A_53 = arith.constant 0 : i32
    %dma_wait3A_54 = arith.constant 0 : i32
    %dma_wait3A_55 = tpu.memref_slice %arg10[%dma_wait3A_53, %dma_wait3A_54] : memref<10240x128xf32, #tpu.memory_space<vmem_shared>> -> memref<10240x128xf32, #tpu.memory_space<vmem_shared>>
    tpu.wait_indirect_dma semaphore(%arg14 : memref<!tpu.dma_semaphore, #tpu.memory_space<semaphore_mem>>) src(%arg9 : memref<128x128xf32, #tpu.memory_space<vmem>>) dst(%dma_wait3A_55 : memref<10240x128xf32, #tpu.memory_space<vmem_shared>>)
    %barrier3A_56 = arith.constant 0 : index
    tpu.barrier barrier_id(%barrier3A_56)
    %add3A_57 = arith.constant 0 : i32
    %add3A_58 = arith.addi %multiple_of3A, %add3A_57 : i32
    %add3A_59 = arith.constant 0 : i32
    %add3A_60 = arith.addi %multiple_of3A, %add3A_59 : i32
    "tpu.region"() ({
      %run_scoped3A = tpu.sem_alloc : memref<!tpu.dma_semaphore, #tpu.memory_space<semaphore_mem>>
      %dma_start3A_77 = arith.constant 0 : i32
      %dma_start3A_78 = arith.constant 0 : i32
      %dma_start3A_79 = tpu.memref_slice %arg5[%arg0, %dma_start3A_77, %dma_start3A_78] : memref<2x10240x128xf32, #tpu.memory_space<hbm>> -> memref<1x10240x128xf32, #tpu.memory_space<hbm>>
      %dma_start3A_80 = tpu.memref_squeeze %dma_start3A_79 : memref<1x10240x128xf32, #tpu.memory_space<hbm>> -> memref<10240x128xf32, #tpu.memory_space<hbm>>
      %dma_start3A_81 = arith.constant 0 : i32
      %dma_start3A_82 = tpu.memref_slice %dma_start3A_80[%add3A_60, %dma_start3A_81] : memref<10240x128xf32, #tpu.memory_space<hbm>> -> memref<128x128xf32, #tpu.memory_space<hbm>>
      %dma_start3A_83 = arith.constant 0 : i32
      %dma_start3A_84 = tpu.memref_slice %arg10[%add3A_58, %dma_start3A_83] : memref<10240x128xf32, #tpu.memory_space<vmem_shared>> -> memref<128x128xf32, #tpu.memory_space<vmem_shared>>
      tpu.enqueue_dma source(%dma_start3A_84 : memref<128x128xf32, #tpu.memory_space<vmem_shared>>) target(%dma_start3A_82 : memref<128x128xf32, #tpu.memory_space<hbm>>) target_semaphore(%run_scoped3A : memref<!tpu.dma_semaphore, #tpu.memory_space<semaphore_mem>>)
      %dma_wait3A_85 = arith.constant 0 : i32
      %dma_wait3A_86 = arith.constant 0 : i32
      %dma_wait3A_87 = tpu.memref_slice %arg5[%arg0, %dma_wait3A_85, %dma_wait3A_86] : memref<2x10240x128xf32, #tpu.memory_space<hbm>> -> memref<1x10240x128xf32, #tpu.memory_space<hbm>>
      %dma_wait3A_88 = tpu.memref_squeeze %dma_wait3A_87 : memref<1x10240x128xf32, #tpu.memory_space<hbm>> -> memref<10240x128xf32, #tpu.memory_space<hbm>>
      %dma_wait3A_89 = arith.constant 0 : i32
      %dma_wait3A_90 = tpu.memref_slice %dma_wait3A_88[%add3A_60, %dma_wait3A_89] : memref<10240x128xf32, #tpu.memory_space<hbm>> -> memref<128x128xf32, #tpu.memory_space<hbm>>
      %dma_wait3A_91 = arith.constant 0 : i32
      %dma_wait3A_92 = tpu.memref_slice %arg10[%add3A_58, %dma_wait3A_91] : memref<10240x128xf32, #tpu.memory_space<vmem_shared>> -> memref<128x128xf32, #tpu.memory_space<vmem_shared>>
      tpu.wait_dma2 semaphore(%run_scoped3A : memref<!tpu.dma_semaphore, #tpu.memory_space<semaphore_mem>>) src(%dma_wait3A_92 : memref<128x128xf32, #tpu.memory_space<vmem_shared>>) dst(%dma_wait3A_90 : memref<128x128xf32, #tpu.memory_space<hbm>>)
      tpu.yield
    }) : () -> ()
    %add3A_61 = arith.constant 128 : i32
    %add3A_62 = arith.addi %multiple_of3A, %add3A_61 : i32
    %add3A_63 = arith.constant 128 : i32
    %add3A_64 = arith.addi %multiple_of3A, %add3A_63 : i32
    "tpu.region"() ({
      %run_scoped3A = tpu.sem_alloc : memref<!tpu.dma_semaphore, #tpu.memory_space<semaphore_mem>>
      %dma_start3A_77 = arith.constant 0 : i32
      %dma_start3A_78 = arith.constant 0 : i32
      %dma_start3A_79 = tpu.memref_slice %arg5[%arg0, %dma_start3A_77, %dma_start3A_78] : memref<2x10240x128xf32, #tpu.memory_space<hbm>> -> memref<1x10240x128xf32, #tpu.memory_space<hbm>>
      %dma_start3A_80 = tpu.memref_squeeze %dma_start3A_79 : memref<1x10240x128xf32, #tpu.memory_space<hbm>> -> memref<10240x128xf32, #tpu.memory_space<hbm>>
      %dma_start3A_81 = arith.constant 0 : i32
      %dma_start3A_82 = tpu.memref_slice %dma_start3A_80[%add3A_64, %dma_start3A_81] : memref<10240x128xf32, #tpu.memory_space<hbm>> -> memref<128x128xf32, #tpu.memory_space<hbm>>
      %dma_start3A_83 = arith.constant 0 : i32
      %dma_start3A_84 = tpu.memref_slice %arg10[%add3A_62, %dma_start3A_83] : memref<10240x128xf32, #tpu.memory_space<vmem_shared>> -> memref<128x128xf32, #tpu.memory_space<vmem_shared>>
      tpu.enqueue_dma source(%dma_start3A_84 : memref<128x128xf32, #tpu.memory_space<vmem_shared>>) target(%dma_start3A_82 : memref<128x128xf32, #tpu.memory_space<hbm>>) target_semaphore(%run_scoped3A : memref<!tpu.dma_semaphore, #tpu.memory_space<semaphore_mem>>)
      %dma_wait3A_85 = arith.constant 0 : i32
      %dma_wait3A_86 = arith.constant 0 : i32
      %dma_wait3A_87 = tpu.memref_slice %arg5[%arg0, %dma_wait3A_85, %dma_wait3A_86] : memref<2x10240x128xf32, #tpu.memory_space<hbm>> -> memref<1x10240x128xf32, #tpu.memory_space<hbm>>
      %dma_wait3A_88 = tpu.memref_squeeze %dma_wait3A_87 : memref<1x10240x128xf32, #tpu.memory_space<hbm>> -> memref<10240x128xf32, #tpu.memory_space<hbm>>
      %dma_wait3A_89 = arith.constant 0 : i32
      %dma_wait3A_90 = tpu.memref_slice %dma_wait3A_88[%add3A_64, %dma_wait3A_89] : memref<10240x128xf32, #tpu.memory_space<hbm>> -> memref<128x128xf32, #tpu.memory_space<hbm>>
      %dma_wait3A_91 = arith.constant 0 : i32
      %dma_wait3A_92 = tpu.memref_slice %arg10[%add3A_62, %dma_wait3A_91] : memref<10240x128xf32, #tpu.memory_space<vmem_shared>> -> memref<128x128xf32, #tpu.memory_space<vmem_shared>>
      tpu.wait_dma2 semaphore(%run_scoped3A : memref<!tpu.dma_semaphore, #tpu.memory_space<semaphore_mem>>) src(%dma_wait3A_92 : memref<128x128xf32, #tpu.memory_space<vmem_shared>>) dst(%dma_wait3A_90 : memref<128x128xf32, #tpu.memory_space<hbm>>)
      tpu.yield
    }) : () -> ()
    %add3A_65 = arith.constant 256 : i32
    %add3A_66 = arith.addi %multiple_of3A, %add3A_65 : i32
    %add3A_67 = arith.constant 256 : i32
    %add3A_68 = arith.addi %multiple_of3A, %add3A_67 : i32
    "tpu.region"() ({
      %run_scoped3A = tpu.sem_alloc : memref<!tpu.dma_semaphore, #tpu.memory_space<semaphore_mem>>
      %dma_start3A_77 = arith.constant 0 : i32
      %dma_start3A_78 = arith.constant 0 : i32
      %dma_start3A_79 = tpu.memref_slice %arg5[%arg0, %dma_start3A_77, %dma_start3A_78] : memref<2x10240x128xf32, #tpu.memory_space<hbm>> -> memref<1x10240x128xf32, #tpu.memory_space<hbm>>
      %dma_start3A_80 = tpu.memref_squeeze %dma_start3A_79 : memref<1x10240x128xf32, #tpu.memory_space<hbm>> -> memref<10240x128xf32, #tpu.memory_space<hbm>>
      %dma_start3A_81 = arith.constant 0 : i32
      %dma_start3A_82 = tpu.memref_slice %dma_start3A_80[%add3A_68, %dma_start3A_81] : memref<10240x128xf32, #tpu.memory_space<hbm>> -> memref<128x128xf32, #tpu.memory_space<hbm>>
      %dma_start3A_83 = arith.constant 0 : i32
      %dma_start3A_84 = tpu.memref_slice %arg10[%add3A_66, %dma_start3A_83] : memref<10240x128xf32, #tpu.memory_space<vmem_shared>> -> memref<128x128xf32, #tpu.memory_space<vmem_shared>>
      tpu.enqueue_dma source(%dma_start3A_84 : memref<128x128xf32, #tpu.memory_space<vmem_shared>>) target(%dma_start3A_82 : memref<128x128xf32, #tpu.memory_space<hbm>>) target_semaphore(%run_scoped3A : memref<!tpu.dma_semaphore, #tpu.memory_space<semaphore_mem>>)
      %dma_wait3A_85 = arith.constant 0 : i32
      %dma_wait3A_86 = arith.constant 0 : i32
      %dma_wait3A_87 = tpu.memref_slice %arg5[%arg0, %dma_wait3A_85, %dma_wait3A_86] : memref<2x10240x128xf32, #tpu.memory_space<hbm>> -> memref<1x10240x128xf32, #tpu.memory_space<hbm>>
      %dma_wait3A_88 = tpu.memref_squeeze %dma_wait3A_87 : memref<1x10240x128xf32, #tpu.memory_space<hbm>> -> memref<10240x128xf32, #tpu.memory_space<hbm>>
      %dma_wait3A_89 = arith.constant 0 : i32
      %dma_wait3A_90 = tpu.memref_slice %dma_wait3A_88[%add3A_68, %dma_wait3A_89] : memref<10240x128xf32, #tpu.memory_space<hbm>> -> memref<128x128xf32, #tpu.memory_space<hbm>>
      %dma_wait3A_91 = arith.constant 0 : i32
      %dma_wait3A_92 = tpu.memref_slice %arg10[%add3A_66, %dma_wait3A_91] : memref<10240x128xf32, #tpu.memory_space<vmem_shared>> -> memref<128x128xf32, #tpu.memory_space<vmem_shared>>
      tpu.wait_dma2 semaphore(%run_scoped3A : memref<!tpu.dma_semaphore, #tpu.memory_space<semaphore_mem>>) src(%dma_wait3A_92 : memref<128x128xf32, #tpu.memory_space<vmem_shared>>) dst(%dma_wait3A_90 : memref<128x128xf32, #tpu.memory_space<hbm>>)
      tpu.yield
    }) : () -> ()
    %add3A_69 = arith.constant 384 : i32
    %add3A_70 = arith.addi %multiple_of3A, %add3A_69 : i32
    %add3A_71 = arith.constant 384 : i32
    %add3A_72 = arith.addi %multiple_of3A, %add3A_71 : i32
    "tpu.region"() ({
      %run_scoped3A = tpu.sem_alloc : memref<!tpu.dma_semaphore, #tpu.memory_space<semaphore_mem>>
      %dma_start3A_77 = arith.constant 0 : i32
      %dma_start3A_78 = arith.constant 0 : i32
      %dma_start3A_79 = tpu.memref_slice %arg5[%arg0, %dma_start3A_77, %dma_start3A_78] : memref<2x10240x128xf32, #tpu.memory_space<hbm>> -> memref<1x10240x128xf32, #tpu.memory_space<hbm>>
      %dma_start3A_80 = tpu.memref_squeeze %dma_start3A_79 : memref<1x10240x128xf32, #tpu.memory_space<hbm>> -> memref<10240x128xf32, #tpu.memory_space<hbm>>
      %dma_start3A_81 = arith.constant 0 : i32
      %dma_start3A_82 = tpu.memref_slice %dma_start3A_80[%add3A_72, %dma_start3A_81] : memref<10240x128xf32, #tpu.memory_space<hbm>> -> memref<128x128xf32, #tpu.memory_space<hbm>>
      %dma_start3A_83 = arith.constant 0 : i32
      %dma_start3A_84 = tpu.memref_slice %arg10[%add3A_70, %dma_start3A_83] : memref<10240x128xf32, #tpu.memory_space<vmem_shared>> -> memref<128x128xf32, #tpu.memory_space<vmem_shared>>
      tpu.enqueue_dma source(%dma_start3A_84 : memref<128x128xf32, #tpu.memory_space<vmem_shared>>) target(%dma_start3A_82 : memref<128x128xf32, #tpu.memory_space<hbm>>) target_semaphore(%run_scoped3A : memref<!tpu.dma_semaphore, #tpu.memory_space<semaphore_mem>>)
      %dma_wait3A_85 = arith.constant 0 : i32
      %dma_wait3A_86 = arith.constant 0 : i32
      %dma_wait3A_87 = tpu.memref_slice %arg5[%arg0, %dma_wait3A_85, %dma_wait3A_86] : memref<2x10240x128xf32, #tpu.memory_space<hbm>> -> memref<1x10240x128xf32, #tpu.memory_space<hbm>>
      %dma_wait3A_88 = tpu.memref_squeeze %dma_wait3A_87 : memref<1x10240x128xf32, #tpu.memory_space<hbm>> -> memref<10240x128xf32, #tpu.memory_space<hbm>>
      %dma_wait3A_89 = arith.constant 0 : i32
      %dma_wait3A_90 = tpu.memref_slice %dma_wait3A_88[%add3A_72, %dma_wait3A_89] : memref<10240x128xf32, #tpu.memory_space<hbm>> -> memref<128x128xf32, #tpu.memory_space<hbm>>
      %dma_wait3A_91 = arith.constant 0 : i32
      %dma_wait3A_92 = tpu.memref_slice %arg10[%add3A_70, %dma_wait3A_91] : memref<10240x128xf32, #tpu.memory_space<vmem_shared>> -> memref<128x128xf32, #tpu.memory_space<vmem_shared>>
      tpu.wait_dma2 semaphore(%run_scoped3A : memref<!tpu.dma_semaphore, #tpu.memory_space<semaphore_mem>>) src(%dma_wait3A_92 : memref<128x128xf32, #tpu.memory_space<vmem_shared>>) dst(%dma_wait3A_90 : memref<128x128xf32, #tpu.memory_space<hbm>>)
      tpu.yield
    }) : () -> ()
    %add3A_73 = arith.constant 512 : i32
    %add3A_74 = arith.addi %multiple_of3A, %add3A_73 : i32
    %add3A_75 = arith.constant 512 : i32
    %add3A_76 = arith.addi %multiple_of3A, %add3A_75 : i32
    "tpu.region"() ({
      %run_scoped3A = tpu.sem_alloc : memref<!tpu.dma_semaphore, #tpu.memory_space<semaphore_mem>>
      %dma_start3A_77 = arith.constant 0 : i32
      %dma_start3A_78 = arith.constant 0 : i32
      %dma_start3A_79 = tpu.memref_slice %arg5[%arg0, %dma_start3A_77, %dma_start3A_78] : memref<2x10240x128xf32, #tpu.memory_space<hbm>> -> memref<1x10240x128xf32, #tpu.memory_space<hbm>>
      %dma_start3A_80 = tpu.memref_squeeze %dma_start3A_79 : memref<1x10240x128xf32, #tpu.memory_space<hbm>> -> memref<10240x128xf32, #tpu.memory_space<hbm>>
      %dma_start3A_81 = arith.constant 0 : i32
      %dma_start3A_82 = tpu.memref_slice %dma_start3A_80[%add3A_76, %dma_start3A_81] : memref<10240x128xf32, #tpu.memory_space<hbm>> -> memref<128x128xf32, #tpu.memory_space<hbm>>
      %dma_start3A_83 = arith.constant 0 : i32
      %dma_start3A_84 = tpu.memref_slice %arg10[%add3A_74, %dma_start3A_83] : memref<10240x128xf32, #tpu.memory_space<vmem_shared>> -> memref<128x128xf32, #tpu.memory_space<vmem_shared>>
      tpu.enqueue_dma source(%dma_start3A_84 : memref<128x128xf32, #tpu.memory_space<vmem_shared>>) target(%dma_start3A_82 : memref<128x128xf32, #tpu.memory_space<hbm>>) target_semaphore(%run_scoped3A : memref<!tpu.dma_semaphore, #tpu.memory_space<semaphore_mem>>)
      %dma_wait3A_85 = arith.constant 0 : i32
      %dma_wait3A_86 = arith.constant 0 : i32
      %dma_wait3A_87 = tpu.memref_slice %arg5[%arg0, %dma_wait3A_85, %dma_wait3A_86] : memref<2x10240x128xf32, #tpu.memory_space<hbm>> -> memref<1x10240x128xf32, #tpu.memory_space<hbm>>
      %dma_wait3A_88 = tpu.memref_squeeze %dma_wait3A_87 : memref<1x10240x128xf32, #tpu.memory_space<hbm>> -> memref<10240x128xf32, #tpu.memory_space<hbm>>
      %dma_wait3A_89 = arith.constant 0 : i32
      %dma_wait3A_90 = tpu.memref_slice %dma_wait3A_88[%add3A_76, %dma_wait3A_89] : memref<10240x128xf32, #tpu.memory_space<hbm>> -> memref<128x128xf32, #tpu.memory_space<hbm>>
      %dma_wait3A_91 = arith.constant 0 : i32
      %dma_wait3A_92 = tpu.memref_slice %arg10[%add3A_74, %dma_wait3A_91] : memref<10240x128xf32, #tpu.memory_space<vmem_shared>> -> memref<128x128xf32, #tpu.memory_space<vmem_shared>>
      tpu.wait_dma2 semaphore(%run_scoped3A : memref<!tpu.dma_semaphore, #tpu.memory_space<semaphore_mem>>) src(%dma_wait3A_92 : memref<128x128xf32, #tpu.memory_space<vmem_shared>>) dst(%dma_wait3A_90 : memref<128x128xf32, #tpu.memory_space<hbm>>)
      tpu.yield
    }) : () -> ()
    return
  }
}

#map = affine_map<(d0, d1) -> (0, 0, 0)>
#map1 = affine_map<(d0, d1) -> (0, 0)>
module attributes {stable_mosaic.version = 14 : i64} {
  func.func @_deg_body(%arg0: i32, %arg1: i32, %arg2: memref<32x80x128xi32, #tpu.memory_space<hbm>>, %arg3: memref<32x10240xf32, #tpu.memory_space<hbm>>, %arg4: memref<80x128xi32, #tpu.memory_space<vmem>>, %arg5: memref<10240xf32, #tpu.memory_space<vmem>>) attributes {dimension_semantics = [#tpu.dimension_semantics<core_parallel>, #tpu.dimension_semantics<subcore_parallel>], iteration_bounds = array<i64: 2, 16>, scalar_prefetch = 0 : i64, scratch_operands = 2 : i64, tpu.core_type = #tpu.core_type<sc_vector_subcore>, window_params = [{transform_indices = #map}, {transform_indices = #map1}]} {
    %mul3A = arith.constant 16 : i32
    %mul3A_0 = arith.muli %arg0, %mul3A : i32
    %add3A = arith.addi %mul3A_0, %arg1 : i32
    "tpu.region"() ({
      %run_scoped3A = tpu.sem_alloc : memref<!tpu.dma_semaphore, #tpu.memory_space<semaphore_mem>>
      %dma_start3A = arith.constant 0 : i32
      %dma_start3A_13 = arith.constant 0 : i32
      %dma_start3A_14 = tpu.memref_slice %arg2[%add3A, %dma_start3A, %dma_start3A_13] : memref<32x80x128xi32, #tpu.memory_space<hbm>> -> memref<1x80x128xi32, #tpu.memory_space<hbm>>
      %dma_start3A_15 = tpu.memref_squeeze %dma_start3A_14 : memref<1x80x128xi32, #tpu.memory_space<hbm>> -> memref<80x128xi32, #tpu.memory_space<hbm>>
      %dma_start3A_16 = arith.constant 0 : i32
      %dma_start3A_17 = arith.constant 0 : i32
      %dma_start3A_18 = tpu.memref_slice %arg2[%add3A, %dma_start3A_16, %dma_start3A_17] : memref<32x80x128xi32, #tpu.memory_space<hbm>> -> memref<1x80x128xi32, #tpu.memory_space<hbm>>
      %dma_start3A_19 = tpu.memref_squeeze %dma_start3A_18 : memref<1x80x128xi32, #tpu.memory_space<hbm>> -> memref<80x128xi32, #tpu.memory_space<hbm>>
      tpu.enqueue_dma source(%dma_start3A_19 : memref<80x128xi32, #tpu.memory_space<hbm>>) target(%arg4 : memref<80x128xi32, #tpu.memory_space<vmem>>) target_semaphore(%run_scoped3A : memref<!tpu.dma_semaphore, #tpu.memory_space<semaphore_mem>>)
      %dma_wait3A = arith.constant 0 : i32
      %dma_wait3A_20 = arith.constant 0 : i32
      %dma_wait3A_21 = tpu.memref_slice %arg2[%add3A, %dma_wait3A, %dma_wait3A_20] : memref<32x80x128xi32, #tpu.memory_space<hbm>> -> memref<1x80x128xi32, #tpu.memory_space<hbm>>
      %dma_wait3A_22 = tpu.memref_squeeze %dma_wait3A_21 : memref<1x80x128xi32, #tpu.memory_space<hbm>> -> memref<80x128xi32, #tpu.memory_space<hbm>>
      %dma_wait3A_23 = arith.constant 0 : i32
      %dma_wait3A_24 = arith.constant 0 : i32
      %dma_wait3A_25 = tpu.memref_slice %arg2[%add3A, %dma_wait3A_23, %dma_wait3A_24] : memref<32x80x128xi32, #tpu.memory_space<hbm>> -> memref<1x80x128xi32, #tpu.memory_space<hbm>>
      %dma_wait3A_26 = tpu.memref_squeeze %dma_wait3A_25 : memref<1x80x128xi32, #tpu.memory_space<hbm>> -> memref<80x128xi32, #tpu.memory_space<hbm>>
      tpu.wait_dma2 semaphore(%run_scoped3A : memref<!tpu.dma_semaphore, #tpu.memory_space<semaphore_mem>>) src(%dma_wait3A_26 : memref<80x128xi32, #tpu.memory_space<hbm>>) dst(%arg4 : memref<80x128xi32, #tpu.memory_space<vmem>>)
      tpu.yield
    }) : () -> ()
    %scan3A = arith.constant 0 : i32
    %scan3A_1 = arith.constant 0 : i32
    %scan3A_2 = arith.constant 640 : i32
    %scan3A_3 = arith.addi %scan3A_1, %scan3A_2 : i32
    %scan3A_4 = arith.constant 1 : i32
    scf.for %scan3A_13 = %scan3A_1 to %scan3A_3 step %scan3A_4  : i32 {
      %broadcast_in_dim3A_14 = arith.constant 0.000000e+00 : f32
      %broadcast_in_dim3A_15 = vector.broadcast %broadcast_in_dim3A_14 : f32 to vector<16xf32>
      %mul3A_16 = arith.constant 16 : i32
      %mul3A_17 = arith.muli %scan3A_13, %mul3A_16 : i32
      %multiple_of3A = tpu.assume_multiple %mul3A_17, 16 : i32
      %swap3A = arith.index_cast %multiple_of3A : i32 to index
      %swap3A_18 = tpu.vector_load %arg5[%swap3A] {strides = array<i32>} : memref<10240xf32, #tpu.memory_space<vmem>>, vector<16xf32>,
      tpu.vector_store %arg5[%swap3A], %broadcast_in_dim3A_15 {strides = array<i32>} : memref<10240xf32, #tpu.memory_space<vmem>>, vector<16xf32>,
    }
    %scan3A_5 = arith.constant 640 : i32
    %broadcast_in_dim3A = arith.constant 1.000000e+00 : f32
    %broadcast_in_dim3A_6 = vector.broadcast %broadcast_in_dim3A : f32 to vector<16xf32>
    %scan3A_7 = arith.constant 0 : i32
    %scan3A_8 = arith.constant 0 : i32
    %scan3A_9 = arith.constant 80 : i32
    %scan3A_10 = arith.addi %scan3A_8, %scan3A_9 : i32
    %scan3A_11 = arith.constant 1 : i32
    scf.for %scan3A_13 = %scan3A_8 to %scan3A_10 step %scan3A_11  : i32 {
      %get3A = arith.index_cast %scan3A_13 : i32 to index
      %get3A_14 = arith.constant 0 : index
      %get3A_15 = tpu.vector_load %arg4[%get3A, %get3A_14] {strides = array<i32>} : memref<80x128xi32, #tpu.memory_space<vmem>>, vector<16xi32>,
      tpu.vector_store_idx %arg5[%get3A_15], %broadcast_in_dim3A_6 {add = true} : memref<10240xf32, #tpu.memory_space<vmem>>[vector<16xi32>], vector<16xf32>,
      %get3A_16 = arith.index_cast %scan3A_13 : i32 to index
      %get3A_17 = arith.constant 16 : index
      %get3A_18 = tpu.vector_load %arg4[%get3A_16, %get3A_17] {strides = array<i32>} : memref<80x128xi32, #tpu.memory_space<vmem>>, vector<16xi32>,
      tpu.vector_store_idx %arg5[%get3A_18], %broadcast_in_dim3A_6 {add = true} : memref<10240xf32, #tpu.memory_space<vmem>>[vector<16xi32>], vector<16xf32>,
      %get3A_19 = arith.index_cast %scan3A_13 : i32 to index
      %get3A_20 = arith.constant 32 : index
      %get3A_21 = tpu.vector_load %arg4[%get3A_19, %get3A_20] {strides = array<i32>} : memref<80x128xi32, #tpu.memory_space<vmem>>, vector<16xi32>,
      tpu.vector_store_idx %arg5[%get3A_21], %broadcast_in_dim3A_6 {add = true} : memref<10240xf32, #tpu.memory_space<vmem>>[vector<16xi32>], vector<16xf32>,
      %get3A_22 = arith.index_cast %scan3A_13 : i32 to index
      %get3A_23 = arith.constant 48 : index
      %get3A_24 = tpu.vector_load %arg4[%get3A_22, %get3A_23] {strides = array<i32>} : memref<80x128xi32, #tpu.memory_space<vmem>>, vector<16xi32>,
      tpu.vector_store_idx %arg5[%get3A_24], %broadcast_in_dim3A_6 {add = true} : memref<10240xf32, #tpu.memory_space<vmem>>[vector<16xi32>], vector<16xf32>,
      %get3A_25 = arith.index_cast %scan3A_13 : i32 to index
      %get3A_26 = arith.constant 64 : index
      %get3A_27 = tpu.vector_load %arg4[%get3A_25, %get3A_26] {strides = array<i32>} : memref<80x128xi32, #tpu.memory_space<vmem>>, vector<16xi32>,
      tpu.vector_store_idx %arg5[%get3A_27], %broadcast_in_dim3A_6 {add = true} : memref<10240xf32, #tpu.memory_space<vmem>>[vector<16xi32>], vector<16xf32>,
      %get3A_28 = arith.index_cast %scan3A_13 : i32 to index
      %get3A_29 = arith.constant 80 : index
      %get3A_30 = tpu.vector_load %arg4[%get3A_28, %get3A_29] {strides = array<i32>} : memref<80x128xi32, #tpu.memory_space<vmem>>, vector<16xi32>,
      tpu.vector_store_idx %arg5[%get3A_30], %broadcast_in_dim3A_6 {add = true} : memref<10240xf32, #tpu.memory_space<vmem>>[vector<16xi32>], vector<16xf32>,
      %get3A_31 = arith.index_cast %scan3A_13 : i32 to index
      %get3A_32 = arith.constant 96 : index
      %get3A_33 = tpu.vector_load %arg4[%get3A_31, %get3A_32] {strides = array<i32>} : memref<80x128xi32, #tpu.memory_space<vmem>>, vector<16xi32>,
      tpu.vector_store_idx %arg5[%get3A_33], %broadcast_in_dim3A_6 {add = true} : memref<10240xf32, #tpu.memory_space<vmem>>[vector<16xi32>], vector<16xf32>,
      %get3A_34 = arith.index_cast %scan3A_13 : i32 to index
      %get3A_35 = arith.constant 112 : index
      %get3A_36 = tpu.vector_load %arg4[%get3A_34, %get3A_35] {strides = array<i32>} : memref<80x128xi32, #tpu.memory_space<vmem>>, vector<16xi32>,
      tpu.vector_store_idx %arg5[%get3A_36], %broadcast_in_dim3A_6 {add = true} : memref<10240xf32, #tpu.memory_space<vmem>>[vector<16xi32>], vector<16xf32>,
    }
    %scan3A_12 = arith.constant 80 : i32
    "tpu.region"() ({
      %run_scoped3A = tpu.sem_alloc : memref<!tpu.dma_semaphore, #tpu.memory_space<semaphore_mem>>
      %dma_start3A = arith.constant 0 : i32
      %dma_start3A_13 = tpu.memref_slice %arg3[%add3A, %dma_start3A] : memref<32x10240xf32, #tpu.memory_space<hbm>> -> memref<1x10240xf32, #tpu.memory_space<hbm>>
      %dma_start3A_14 = tpu.memref_squeeze %dma_start3A_13 : memref<1x10240xf32, #tpu.memory_space<hbm>> -> memref<10240xf32, #tpu.memory_space<hbm>>
      %dma_start3A_15 = arith.constant 0 : i32
      %dma_start3A_16 = tpu.memref_slice %arg3[%add3A, %dma_start3A_15] : memref<32x10240xf32, #tpu.memory_space<hbm>> -> memref<1x10240xf32, #tpu.memory_space<hbm>>
      %dma_start3A_17 = tpu.memref_squeeze %dma_start3A_16 : memref<1x10240xf32, #tpu.memory_space<hbm>> -> memref<10240xf32, #tpu.memory_space<hbm>>
      tpu.enqueue_dma source(%arg5 : memref<10240xf32, #tpu.memory_space<vmem>>) target(%dma_start3A_17 : memref<10240xf32, #tpu.memory_space<hbm>>) target_semaphore(%run_scoped3A : memref<!tpu.dma_semaphore, #tpu.memory_space<semaphore_mem>>)
      %dma_wait3A = arith.constant 0 : i32
      %dma_wait3A_18 = tpu.memref_slice %arg3[%add3A, %dma_wait3A] : memref<32x10240xf32, #tpu.memory_space<hbm>> -> memref<1x10240xf32, #tpu.memory_space<hbm>>
      %dma_wait3A_19 = tpu.memref_squeeze %dma_wait3A_18 : memref<1x10240xf32, #tpu.memory_space<hbm>> -> memref<10240xf32, #tpu.memory_space<hbm>>
      %dma_wait3A_20 = arith.constant 0 : i32
      %dma_wait3A_21 = tpu.memref_slice %arg3[%add3A, %dma_wait3A_20] : memref<32x10240xf32, #tpu.memory_space<hbm>> -> memref<1x10240xf32, #tpu.memory_space<hbm>>
      %dma_wait3A_22 = tpu.memref_squeeze %dma_wait3A_21 : memref<1x10240xf32, #tpu.memory_space<hbm>> -> memref<10240xf32, #tpu.memory_space<hbm>>
      tpu.wait_dma2 semaphore(%run_scoped3A : memref<!tpu.dma_semaphore, #tpu.memory_space<semaphore_mem>>) src(%arg5 : memref<10240xf32, #tpu.memory_space<vmem>>) dst(%dma_wait3A_22 : memref<10240xf32, #tpu.memory_space<hbm>>)
      tpu.yield
    }) : () -> ()
    return
  }
}

module attributes {stable_mosaic.version = 14 : i64} {
  func.func @_dense1_body(%arg0: memref<10000x128xf32, #tpu.memory_space<vmem>>, %arg1: memref<128x128xf32, #tpu.memory_space<vmem>>, %arg2: memref<10240x32xf32, #tpu.memory_space<vmem>>, %arg3: memref<10240x128xf32, #tpu.memory_space<vmem>>) attributes {dimension_semantics = [], scalar_prefetch = 0 : i64, scratch_operands = 0 : i64, tpu.core_type = #tpu.core_type<tc>} {
    %get3A = arith.constant 0 : index
    %get3A_0 = arith.constant 0 : index
    %get3A_1 = vector.load %arg2[%get3A, %get3A_0] : memref<10240x32xf32, #tpu.memory_space<vmem>>, vector<10240x32xf32>
    %reduce_sum3A = arith.constant dense<0.000000e+00> : vector<10240xf32>
    %reduce_sum3A_2 = vector.multi_reduction <add>, %get3A_1, %reduce_sum3A [1] : vector<10240x32xf32> to vector<10240xf32>
    %broadcast_in_dim3A = vector.shape_cast %reduce_sum3A_2 : vector<10240xf32> to vector<10240x1xf32>
    %add3A = arith.constant 1.000000e+00 : f32
    %add3A_3 = vector.broadcast %add3A : f32 to vector<10240x1xf32>
    %add3A_4 = arith.addf %broadcast_in_dim3A, %add3A_3 : vector<10240x1xf32>
    %rsqrt3A = math.rsqrt %add3A_4 : vector<10240x1xf32>
    %get3A_5 = arith.constant 0 : index
    %get3A_6 = arith.constant 0 : index
    %get3A_7 = vector.load %arg0[%get3A_5, %get3A_6] : memref<10000x128xf32, #tpu.memory_space<vmem>>, vector<10000x128xf32>
    %get3A_8 = arith.constant 0 : index
    %get3A_9 = arith.constant 0 : index
    %get3A_10 = vector.load %arg1[%get3A_8, %get3A_9] : memref<128x128xf32, #tpu.memory_space<vmem>>, vector<128x128xf32>
    %dot_general3A = arith.constant dense<0.000000e+00> : vector<10000x128xf32>
    %dot_general3A_11 = tpu.matmul %get3A_7, %get3A_10, %dot_general3A {dimension_numbers = #tpu.dot_dimension_numbers<[1], [0], [0], [1], [0, 0, 1, 1], [], []>, transpose_lhs_hint = false} : vector<10000x128xf32>, vector<128x128xf32>, vector<10000x128xf32> -> vector<10000x128xf32>
    %slice3A = vector.extract_strided_slice %rsqrt3A {offsets = [0, 0], sizes = [10000, 1], strides = [1, 1]} : vector<10240x1xf32> to vector<10000x1xf32>
    %mul3A = vector.broadcast %slice3A : vector<10000x1xf32> to vector<10000x128xf32>
    %mul3A_12 = arith.mulf %dot_general3A_11, %mul3A : vector<10000x128xf32>
    %broadcast_in_dim3A_13 = arith.constant 0.000000e+00 : f32
    %broadcast_in_dim3A_14 = vector.broadcast %broadcast_in_dim3A_13 : f32 to vector<240x128xf32>
    %concatenate3A = tpu.concatenate %mul3A_12, %broadcast_in_dim3A_14 in 0 : vector<10000x128xf32>, vector<240x128xf32> -> vector<10240x128xf32>
    %swap3A = arith.constant 0 : index
    %swap3A_15 = arith.constant 0 : index
    %swap3A_16 = vector.load %arg3[%swap3A, %swap3A_15] : memref<10240x128xf32, #tpu.memory_space<vmem>>, vector<10240x128xf32>
    tpu.vector_store %arg3[%swap3A, %swap3A_15], %concatenate3A {strides = array<i32>} : memref<10240x128xf32, #tpu.memory_space<vmem>>, vector<10240x128xf32>,
    return
  }
}

module attributes {stable_mosaic.version = 14 : i64} {
  func.func @_dense2_body(%arg0: memref<10240x32xf32, #tpu.memory_space<vmem>>, %arg1: memref<10240x128xf32, #tpu.memory_space<vmem>>, %arg2: memref<2x10240x128xf32, #tpu.memory_space<vmem>>, %arg3: memref<128xf32, #tpu.memory_space<vmem>>, %arg4: memref<10000x128xf32, #tpu.memory_space<vmem>>) attributes {dimension_semantics = [], scalar_prefetch = 0 : i64, scratch_operands = 0 : i64, tpu.core_type = #tpu.core_type<tc>} {
    %get3A = arith.constant 0 : index
    %get3A_0 = arith.constant 0 : index
    %get3A_1 = vector.load %arg0[%get3A, %get3A_0] : memref<10240x32xf32, #tpu.memory_space<vmem>>, vector<10240x32xf32>
    %reduce_sum3A = arith.constant dense<0.000000e+00> : vector<10240xf32>
    %reduce_sum3A_2 = vector.multi_reduction <add>, %get3A_1, %reduce_sum3A [1] : vector<10240x32xf32> to vector<10240xf32>
    %broadcast_in_dim3A = vector.shape_cast %reduce_sum3A_2 : vector<10240xf32> to vector<10240x1xf32>
    %add3A = arith.constant 1.000000e+00 : f32
    %add3A_3 = vector.broadcast %add3A : f32 to vector<10240x1xf32>
    %add3A_4 = arith.addf %broadcast_in_dim3A, %add3A_3 : vector<10240x1xf32>
    %rsqrt3A = math.rsqrt %add3A_4 : vector<10240x1xf32>
    %get3A_5 = arith.constant 0 : index
    %get3A_6 = arith.constant 0 : index
    %get3A_7 = arith.constant 0 : index
    %get3A_8 = vector.load %arg2[%get3A_5, %get3A_6, %get3A_7] : memref<2x10240x128xf32, #tpu.memory_space<vmem>>, vector<1x10000x128xf32>
    %get3A_9 = vector.shape_cast %get3A_8 : vector<1x10000x128xf32> to vector<10000x128xf32>
    %get3A_10 = arith.constant 1 : index
    %get3A_11 = arith.constant 0 : index
    %get3A_12 = arith.constant 0 : index
    %get3A_13 = vector.load %arg2[%get3A_10, %get3A_11, %get3A_12] : memref<2x10240x128xf32, #tpu.memory_space<vmem>>, vector<1x10000x128xf32>
    %get3A_14 = vector.shape_cast %get3A_13 : vector<1x10000x128xf32> to vector<10000x128xf32>
    %add3A_15 = arith.addf %get3A_9, %get3A_14 : vector<10000x128xf32>
    %get3A_16 = arith.constant 0 : index
    %get3A_17 = arith.constant 0 : index
    %get3A_18 = vector.load %arg1[%get3A_16, %get3A_17] : memref<10240x128xf32, #tpu.memory_space<vmem>>, vector<10000x128xf32>
    %add3A_19 = arith.addf %add3A_15, %get3A_18 : vector<10000x128xf32>
    %slice3A = vector.extract_strided_slice %rsqrt3A {offsets = [0, 0], sizes = [10000, 1], strides = [1, 1]} : vector<10240x1xf32> to vector<10000x1xf32>
    %mul3A = vector.broadcast %slice3A : vector<10000x1xf32> to vector<10000x128xf32>
    %mul3A_20 = arith.mulf %mul3A, %add3A_19 : vector<10000x128xf32>
    %get3A_21 = arith.constant 0 : index
    %get3A_22 = vector.load %arg3[%get3A_21] : memref<128xf32, #tpu.memory_space<vmem>>, vector<128xf32>
    %broadcast_in_dim3A_23 = vector.shape_cast %get3A_22 : vector<128xf32> to vector<1x128xf32>
    %add3A_24 = vector.broadcast %broadcast_in_dim3A_23 : vector<1x128xf32> to vector<10000x128xf32>
    %add3A_25 = arith.addf %mul3A_20, %add3A_24 : vector<10000x128xf32>
    %max3A = arith.constant 0.000000e+00 : f32
    %max3A_26 = vector.broadcast %max3A : f32 to vector<10000x128xf32>
    %max3A_27 = arith.maximumf %add3A_25, %max3A_26 : vector<10000x128xf32>
    %swap3A = arith.constant 0 : index
    %swap3A_28 = arith.constant 0 : index
    %swap3A_29 = vector.load %arg4[%swap3A, %swap3A_28] : memref<10000x128xf32, #tpu.memory_space<vmem>>, vector<10000x128xf32>
    tpu.vector_store %arg4[%swap3A, %swap3A_28], %max3A_27 {strides = array<i32>} : memref<10000x128xf32, #tpu.memory_space<vmem>>, vector<10000x128xf32>,
    return
  }
}

</mosaic_0001>

<sc_bundles>
// kernel: kernel.6.cloned.1.call-start
scs
__scs_entry_jumppad:
0x0: {  	(pc) =	sbr.rel $0x88, $3  }
0x1: {  	(tag) =	ssettag $0x0;
	lr =	simm.s32 $0x1  }
0x2: {  	[smem:$0x3F9D] =	sst lr;
	_ =	strace $0xD0000000  }
0x3: {  	_ = 	snop  }
0x4: {  	_ = 	snop  }
0x5: {  	_ = 	snop  }
0x6: {  	_ = 	snop  }
0x7: {  	_ = 	snop  }
__scs_overlays_trampoline_lowered:
0x8: {  	[smem:$0x3FAC] =	sst s0  }
0x9: {  	[smem:$0x3FAD] =	sst s1  }
0xa: {  	[smem:$0x3FAE] =	sst s2  }
0xb: {  	[smem:$0x3FAF] =	sst s3  }
0xc: {  	[smem:$0x3FB0] =	sst s4  }
0xd: {  	[smem:$0x3FB1] =	sst s5  }
0xe: {  	[smem:$0x3FB2] =	sst s6  }
0xf: {  	[smem:$0x3FB3] =	sst s7  }
0x10: {  	[smem:$0x3FB4] =	sst s8  }
0x11: {  	[smem:$0x3FB5] =	sst s9;
	s0 =	simm.s32 @!p0 $0x0  }
0x12: {  	s1 =	sld [smem:$0x3F9B];
	s0 =	simm.s32 @p0 $0x1  }
0x13: {  	[smem:$0x3FB6] =	sst s0;
	s0 =	simm.s32 @!p1 $0x0  }
0x14: {  	s2 =	sld [smem:$0x3F9A];
	s0 =	simm.s32 @p1 $0x1  }
0x15: {  	[smem:$0x3FB7] =	sst s0;
	s0 =	simm.s32 @!p2 $0x0  }
0x16: {  	s3 =	sld [smem:$0x3FDB];
	s0 =	simm.s32 @p2 $0x1  }
0x17: {  	s4 =	simm.s32 $0x1BF5;
	[smem:$0x3FB9] =	sst s0  }
0x18: {  	s0 =	sld [smem:$0x3F9C];
	_ =	swait.ge [sflag:s4], $0x0  }
0x19: {  	s7 =	sld [smem:$0x3F9D]  }
0x1a: {  	s8 =	sadd.s32 $0xFFFFE003, lr  }
0x1b: {  	s9 =	sadd.s32 $0xFFFFFEF7, lr;
	s5 =	simm.s32 $0xFFFFFFFF;
	p2 =	slt.u32 s8, $0xFFFFF086  }
0x1c: {  	p1 =	slt.u32 s9, $0xF7A;
	s5 =	simm.s32 @!p2 $0x0  }
0x1d: {  	s5 =	simm.s32 @p1 $0x1;
	p0 =	seq.s32 s7, s2  }
0x1e: {  	s7 =	smul.u32 @!p0 $0xF7A, s2;
	p2 =	seq.s32 @!p0 s5, $0x0  }
0x1f: {  	s9 =	smul.u32 $0xF7A, s1;
	s8 =	simm.s32 @!p0 $0x1BF5;
	p2 =	por !p2, p0  }
0x20: {  	[sflag:s8] =	ssyncset.s32 @!p0 $0xFFFFF086;
	s6 =	sadd.s32 @!p0 s3, s7;
	s7 =	simm.s32 @!p0 $0x108  }
0x21: {  	s3 =	sadd.s32 s3, s9;
	s6 =	sadd.s32 @!p0 $0x88, s6;
	s7 =	simm.s32 @p2 $0x1082  }
0x22: {  	[simem:s7], [sflag:s8] =	dma.local @!p0 [hbm:s6], $0xF7A  }
0x23: {  	s9 =	sor.u32 $0xD0000000, s2;
	s6 =	simm.s32 $0x108;
	_ =	swait.ge @!p0 [sflag:s8], $0x0  }
0x24: {  	s3 =	sadd.s32 $0x88, s3;
	s6 =	simm.s32 @!p1 $0x1082;
	[sflag:s4] =	ssyncset.s32 $0xFFFFF086  }
0x25: {  	[simem:s6], [sflag:s4] =	dma.local [hbm:s3], $0xF7A  }
0x26: {  	[smem:$0x3F9D] =	sst s1;
	(tag) =	ssettag s2;
	_ =	strace s9  }
0x27: {  	s1 =	sld [smem:$0x3FAD]  }
0x28: {  	s2 =	sld [smem:$0x3FAE]  }
0x29: {  	s4 =	sld [smem:$0x3FB0]  }
0x2a: {  	p0 =	seq.s32 s5, $0x0;
	s5 =	sld [smem:$0x3FB1]  }
0x2b: {  	s6 =	sld [smem:$0x3FB2]  }
0x2c: {  	s7 =	sld [smem:$0x3FB3]  }
0x2d: {  	s3 =	simm.s32 $0x108;
	s8 =	sld [smem:$0x3FB4]  }
0x2e: {  	s3 =	simm.s32 @!p0 $0x1082;
	s9 =	sld [smem:$0x3FB5]  }
0x2f: {  	lr =	sadd.s32 s0, s3;
	s0 =	sld [smem:$0x3FAC]  }
0x30: {  	s3 =	sld [smem:$0x3FAF]  }
0x31: {  	[smem:$0x3FB8] =	sst s10  }
0x32: {  	s10 =	sld [smem:$0x3FB6];
	_ =	sdelay $0x3  }
0x33: {  	p0 =	seq.s32 s10, $0x1;
	s10 =	sld [smem:$0x3FB8];
	_ =	sdelay $0x3  }
0x34: {  	[smem:$0x3FB8] =	sst s10  }
0x35: {  	s10 =	sld [smem:$0x3FB7];
	_ =	sdelay $0x3  }
0x36: {  	p1 =	seq.s32 s10, $0x1;
	s10 =	sld [smem:$0x3FB8];
	_ =	sdelay $0x3  }
0x37: {  	[smem:$0x3FB8] =	sst s10  }
0x38: {  	s10 =	sld [smem:$0x3FB9]  }
0x39: {  	_ = 	snop;
	(pc) =	sbr.ind lr, $3  }
0x3a: {  	_ = 	snop  }
0x3b: {  	_ = 	snop  }
0x3c: {  	p2 =	seq.s32 s10, $0x1;
	s10 =	sld [smem:$0x3FB8]  }
0x3d: {  	_ =	shalt  }
0x3e: {  	_ =	shalt  }
0x3f: {  	_ =	shalt  }
0x40: {  	_ =	shalt  }
0x41: {  	_ =	shalt  }
0x42: {  	_ =	shalt  }
0x43: {  	_ =	shalt  }
0x44: {  	_ =	shalt  }
0x45: {  	_ =	shalt  }
0x46: {  	_ =	shalt  }
0x47: {  	_ =	shalt  }
0x48: {  	_ =	shalt  }
0x49: {  	_ =	shalt  }
0x4a: {  	_ =	shalt  }
0x4b: {  	_ =	shalt  }
0x4c: {  	_ =	shalt  }
0x4d: {  	_ =	shalt  }
0x4e: {  	_ =	shalt  }
0x4f: {  	_ =	shalt  }
0x50: {  	_ =	shalt  }
0x51: {  	_ =	shalt  }
0x52: {  	_ =	shalt  }
0x53: {  	_ =	shalt  }
0x54: {  	_ =	shalt  }
0x55: {  	_ =	shalt  }
0x56: {  	_ =	shalt  }
0x57: {  	_ =	shalt  }
0x58: {  	_ =	shalt  }
0x59: {  	_ =	shalt  }
0x5a: {  	_ =	shalt  }
0x5b: {  	_ =	shalt  }
0x5c: {  	_ =	shalt  }
0x5d: {  	_ =	shalt  }
0x5e: {  	_ =	shalt  }
0x5f: {  	_ =	shalt  }
0x60: {  	_ =	shalt  }
0x61: {  	_ =	shalt  }
0x62: {  	_ =	shalt  }
0x63: {  	_ =	shalt  }
0x64: {  	_ =	shalt  }
0x65: {  	_ =	shalt  }
0x66: {  	_ =	shalt  }
0x67: {  	_ =	shalt  }
0x68: {  	_ =	shalt  }
0x69: {  	_ =	shalt  }
0x6a: {  	_ =	shalt  }
0x6b: {  	_ =	shalt  }
0x6c: {  	_ =	shalt  }
0x6d: {  	_ =	shalt  }
0x6e: {  	_ =	shalt  }
0x6f: {  	_ =	shalt  }
0x70: {  	_ =	shalt  }
0x71: {  	_ =	shalt  }
0x72: {  	_ =	shalt  }
0x73: {  	_ =	shalt  }
0x74: {  	_ =	shalt  }
0x75: {  	_ =	shalt  }
0x76: {  	_ =	shalt  }
0x77: {  	_ =	shalt  }
0x78: {  	_ =	shalt  }
0x79: {  	_ =	shalt  }
0x7a: {  	_ =	shalt  }
0x7b: {  	_ =	shalt  }
0x7c: {  	_ =	shalt  }
0x7d: {  	_ =	shalt  }
0x7e: {  	_ =	shalt  }
0x7f: {  	_ =	shalt  }
0x80: {  	_ =	shalt  }
0x81: {  	_ =	shalt  }
0x82: {  	_ =	shalt  }
0x83: {  	_ =	shalt  }
0x84: {  	_ =	shalt  }
0x85: {  	_ =	shalt  }
0x86: {  	_ =	shalt  }
0x87: {  	_ =	shalt  }
.Lfunc_end0:
.L_simem_size_0:
called_computation_lowered:
.L_overlay_start_0:
0x88: {  	s2 =	sld [smem:$0x3FD9]  }
0x89: {  	s3 =	sld [smem:$0x3FFE];
	_ =	sdelay $0x1  }
0x8a: {  	s1 =	srdreg.scid  }
0x8b: {  	s0 =	sand.u32 $0x1, s1  }
0x8c: {  	s17 =	sshll.u32 s0, $0xA;
	s2 =	sadd.s32 s3, s2  }
0x8d: {  	s2 =	sadd.s32 s2, s17  }
0x8e: {  	[smem:$0x3FC4] =	sst s2  }
0x8f: {  	_ = 	snop  }
0x90: {  	s2 =	sld [smem:$0x3FD0];
	(tm) =	ssettm $0x1  }
0x91: {  	s18 =	sld [smem:$0x3FFB];
	_ =	sdelay $0x3  }
0x92: {  	_ =	strace s18  }
0x93: {  	s3 =	sld [smem:$0x3FFC];
	_ =	sdelay $0x3  }
0x94: {  	_ =	strace s3  }
0x95: {  	s3 =	sld [smem:$0x3FFD];
	_ =	sdelay $0x3  }
0x96: {  	_ =	strace s3  }
0x97: {  	_ =	strace $0x8FFFFFFF  }
0x98: {  	s19 =	sld [smem:$0x3FDB];
	_ =	sdelay $0x1  }
0x99: {  	s4 =	simm.s32 $_scs_section_size  }
0x9a: {  	s5 =	simm.s32 $_size__tile_overlayer_lowered;
	s6 =	simm.s32 $_tile_overlayer_lowered  }
0x9b: {  	s22 =	simm.s32 $0x1BFF;
	s21 =	sshll.u32 s6, $0x1;
	s3 =	sadd.s32 s4, s19  }
0x9c: {  	s7 =	simm.s32 $0x0;
	s20 =	sshll.u32 s5, $0x1;
	s5 =	sadd.s32 s21, s3  }
0x9d: {  	[timem:s7], [sflag:s22] =	dma.local [hbm:s5], s20  }
0x9e: {  	_ =	swait.ge [sflag:s22], s20  }
0x9f: {  	s4 =	ssub.s32 $0x0, s20;
	[sflag:s22] =	ssyncset.done $0x0  }
0xa0: {  	[sflag:s22] =	ssyncadd.s32 s4;
	_ =	sdelay $0x1  }
0xa1: {  	s23 =	simm.s32 $0x1B8B  }
0xa2: {  	_ =	swait.ge [sflag:s23], $0x1  }
0xa3: {  	[sflag:s23] =	ssyncset.done $0x0  }
0xa4: {  	s25 =	simm.s32 $0x1B8E;
	s24 =	sld [smem:$0x3FFE];
	[sflag:s23] =	ssyncadd.s32 $0xFFFFFFFF  }
0xa5: {  	s26 =	simm.s32 $execute0_lowered;
	[smem:$0x3FD2] =	sst s25  }
0xa6: {  	s5 =	sshll.u32 s26, $0x1;
	_ =	strace $0x80000046;
	[dreg:$0x1] =	wrdreg $0xFFFFFFFF  }
0xa7: {  	s28 =	simm.s32 $_size_execute0_lowered;
	s3 =	sadd.s32 s3, s5;
	[dreg:$0x0] =	wrdreg $0x0  }
0xa8: {  	s5 =	sshll.u32 s28, $0x1;
	[dreg:$0x2] =	wrdreg s3  }
0xa9: {  	[dreg:$0x3] =	wrdreg s5  }
0xaa: {  	[dreg:$0x4] =	wrdreg $0xC0  }
0xab: {  	_ =	task [dreg:s7], $0x5FFFF  }
0xac: {  	[dreg:$0x1] =	wrdreg $0xFFFFFFFF  }
0xad: {  	[dreg:$0x0] =	wrdreg $0x60  }
0xae: {  	[dreg:$0x2] =	wrdreg s2  }
0xaf: {  	[dreg:$0x3] =	wrdreg s24  }
0xb0: {  	[dreg:$0x4] =	wrdreg $0x9  }
0xb1: {  	_ =	task.clear_ibuf [dreg:s7], $0x5FFFF;
	_ =	strace $0x90000046  }
0xb2: {  	s29 =	simm.s32 $0x9;
	_ =	strace $0x80000048  }
0xb3: {  	_ =	swait.ge [sflag:s29], $0x1  }
0xb4: {  	[sflag:s29] =	ssyncadd.s32 $0xFFFFFFFF  }
0xb5: {  	_ =	strace $0x90000048  }
0xb6: {  	_ =	sfence  }
0xb7: {  	s30 =	sld [smem:$0x0];
	_ =	sdelay $0x2  }
0xb8: {  	s31 =	sshll.u32 s1, $0xD;
	s1 =	sshrl.u32 s1, $0x2  }
0xb9: {  	s3 =	sand.u32 $0x4000, s31;
	s1 =	sadd.s32 s1, s30  }
0xba: {  	s0 =	sor.u32 s3, s0;
	s1 =	sshll.u32 s1, $0x11  }
0xbb: {  	s0 =	sor.u32 s1, s0  }
0xbc: {  	s0 =	sadd.s32 $0x8F2B, s0  }
0xbd: {  	[sflag:s0] =	ssyncadd.remote.s32 $0x1  }
0xbe: {  	_ =	sfence.sel $0xFFFF  }
0xbf: {  	[dreg:$0x0] =	wrdreg $0xFFFFFFFF;
	(pc) =	sbr.abs _section_cstart, $3  }
0xc0: {  	[dreg:$0x1] =	wrdreg $0xFFFFFFFF  }
0xc1: {  	_ =	task.clear_ibuf [dreg:s7], $0x2FFFF;
	_ =	strace $0x9FFFFFFF  }
0xc2: {  	(tm) =	ssettm $0x7FFFFFFF  }
0xc3: {  	_ =	shalt  }
tec
execute0_lowered:
.L_overlay_start_1:
0x0: {  	(tag) =	ssettag $0x1  }
0x1: {  	s0 =	srdreg.scid  }
0x2: {  	s3 =	sand.u32 $0x1, s0  }
0x3: {  	s0 =	stileid.u32;
	s1 =	sshll.u32 s3, $0x4  }
0x4: {  	s5 =	rddreg [dreg:$0x0];
	s4 =	sor.u32 s0, s1  }
0x5: {  	s6 =	rddreg [dreg:$0x1];
	s2 =	simm.s32 $0x0;
	s1 =	sshrl.u32 s4, $0x3  }
0x6: {  	s9 =	simm.s32 $0x400;
	s8 =	sshll.u32 s0, $0x7;
	s7 =	smul.u32 $0x14000, s1  }
0x7: {  	s10 =	simm.s32 $0x0;
	s3 =	ssub.s32 $0x2, s3;
	s8 =	sand.u32 $0x380, s8  }
0x8: {  	[smem:$0x7FF] =	sst s2;
	s31 =	sshrl.u32 s3, $0x1;
	s7 =	sor.u32 s8, s7  }
0x9: {  	s4 =	smul.u32 $0x500, s4;
	s1 =	rddreg [dreg:$0x2];
	s7 =	sshrl.u32 s7, $0x3  }
0xa: {  	_ =	strace $0x80000047;
	s8 =	simm.s32 $0x80;
	s6 =	sadd.s32 s7, s6  }
0xb: {  	s7 =	ssub.s32 s3, s31;
	s3 =	sadd.s32 s5, s4;
	s4 =	sadd.s32 $0x1200, s6  }
0xc: {  	v0 =	vimm.f32 $0.0e+00;
	v1 =	vimm.f32 $1.000000000e+00;
	s5 =	smax.u32 s7, $0x1;
	s6 =	simm.s32 $0x1;
	s7 =	simm.s32 $0x2800  }
.LBB2_1:
0xd: {  	[tilespmem:s2], [sflag:$0x1] =	stream.linear.gather [hbm4b:s3+s2], $0x2800, $0x38;
	[tilespmem:$0x5000] =	vst v63  }
0xe: {  	_ =	swait.ge [sflag:s6], $0x2800  }
0xf: {  	[sflag:s6] =	ssyncset.done $0x0  }
0x10: {  	s11 =	simm.s32 $0x0;
	[sflag:s6] =	ssyncadd.s32 $0xFFFFD800  }
.LBB2_2:
0x11: {  	p0 =	sne.s32 s11, $0x9FC0  }
.Ltmp0:
0x12: {  	_ = 	snop;
	(pc) =	sbr.rel @p0 .LBB2_2-.Ltmp0, $3  }
0x13: {  	_ =	sdelay $0x1  }
0x14: {  	s12 =	sshra.s32 s11, $0x2  }
0x15: {  	s11 =	sadd.s32 $0x40, s11;
	[tilespmem:s12+$0x2800] =	vst v0  }
0x16: {  	s11 =	simm.s32 $0x0  }
.LBB2_4:
0x17: {  	s12 =	sshra.s32 s11, $0x2  }
0x18: {  	v2 =	vld [tilespmem:s12+$0x0];
	_ =	sdelay $0x7  }
0x19: {  	[tilespmem:v2+s7+$0x0] =	vst.idx.add.f32.msk $0xffff, v1  }
0x1a: {  	v2 =	vld [tilespmem:s12+$0x10];
	_ =	sdelay $0x7  }
0x1b: {  	[tilespmem:v2+s7+$0x0] =	vst.idx.add.f32.msk $0xffff, v1  }
0x1c: {  	v2 =	vld [tilespmem:s12+$0x20];
	_ =	sdelay $0x7  }
0x1d: {  	[tilespmem:v2+s7+$0x0] =	vst.idx.add.f32.msk $0xffff, v1  }
0x1e: {  	v2 =	vld [tilespmem:s12+$0x30];
	_ =	sdelay $0x7  }
0x1f: {  	[tilespmem:v2+s7+$0x0] =	vst.idx.add.f32.msk $0xffff, v1  }
0x20: {  	v2 =	vld [tilespmem:s12+$0x40];
	_ =	sdelay $0x7  }
0x21: {  	[tilespmem:v2+s7+$0x0] =	vst.idx.add.f32.msk $0xffff, v1  }
0x22: {  	v2 =	vld [tilespmem:s12+$0x50];
	_ =	sdelay $0x7  }
0x23: {  	[tilespmem:v2+s7+$0x0] =	vst.idx.add.f32.msk $0xffff, v1  }
0x24: {  	v2 =	vld [tilespmem:s12+$0x60];
	_ =	sdelay $0x7  }
0x25: {  	[tilespmem:v2+s7+$0x0] =	vst.idx.add.f32.msk $0xffff, v1  }
0x26: {  	v2 =	vld [tilespmem:s12+$0x70];
	_ =	sdelay $0x2  }
0x27: {  	p0 =	sne.s32 s11, $0x9E00  }
.Ltmp1:
0x28: {  	_ = 	snop;
	(pc) =	sbr.rel @p0 .LBB2_4-.Ltmp1, $2  }
0x29: {  	_ =	sdelay $0x2  }
0x2a: {  	s11 =	sadd.s32 $0x200, s11;
	[tilespmem:v2+s7+$0x0] =	vst.idx.add.f32.msk $0xffff, v1  }
0x2b: {  	s10 =	sadd.s32 $0x1, s10  }
0x2c: {  	p0 =	sne.s32 s10, s5  }
.Ltmp2:
0x2d: {  	_ = 	snop;
	(pc) =	sbr.rel @p0 .LBB2_1-.Ltmp2, $4  }
0x2e: {  	[hbm4b:s4+s8] =	stream.strided.scatter [tilespmem:s7], [sflag:$0x1], $0x2800, s9, s8, $0x38;
	[tilespmem:$0x5000] =	vst v63  }
0x2f: {  	_ =	swait.ge [sflag:s6], $0x2800  }
0x30: {  	[sflag:s6] =	ssyncset.done $0x0  }
0x31: {  	[sflag:s6] =	ssyncadd.s32 $0xFFFFD800  }
0x32: {  	_ =	sfence.sel $0x180000  }
0x33: {  	[bflag:$0x0] =	sbarrier.arrive $0xFFFF  }
0x34: {  	p0 =	sne.s32 s0, $0x0;
	_ =	strace $0x90000047  }
0x35: {  	s0 =	sadd.s32 @!p0 $0x100000, s1;
	[bflag:$0x2] =	sbarrier.arrive $0xFFFF  }
0x36: {  	[sflag:s0] =	ssyncadd.tile.s32 @!p0 $0x1;
	_ =	shalt  }
.Lfunc_end2:
_tile_overlayer_lowered:
.L_overlay_start_2:
0x37: {  	(tag) =	ssettag $0x2  }
0x38: {  	s0 =	rddreg [dreg:$0x0];
	s2 =	stileid.u32  }
0x39: {  	s1 =	rddreg [dreg:$0x1];
	p0 =	sne.s32 s2, $0x0  }
0x3a: {  	s3 =	rddreg [dreg:$0x2];
	[bflag:$0x3] =	sbarrier.arrive $0xFFFF;
	s2 =	simm.s32 @!p0 $0x1C01  }
0x3b: {  	[timem:s3], [sflag:s2] =	dma.local @!p0 [hbm:s0], s1  }
0x3c: {  	s0 =	simm.s32 @!p0 $0x1  }
0x3d: {  	_ =	swait.ge @!p0 [sflag:s0], s1  }
0x3e: {  	s1 =	ssub.s32 @!p0 $0x0, s1;
	[sflag:s0] =	ssyncset.done @!p0 $0x0  }
0x3f: {  	[sflag:s0] =	ssyncadd.s32 @!p0 s1  }
0x40: {  	[bflag:$0x3] =	sbarrier.arrive $0xFFFF  }
0x41: {  	_ =	shalt  }

// kernel: kernel.9.cloned.1.call-start
scs
__scs_entry_jumppad:
0x0: {  	(pc) =	sbr.rel $0x88, $3  }
0x1: {  	(tag) =	ssettag $0x0;
	lr =	simm.s32 $0x1  }
0x2: {  	[smem:$0x3F9D] =	sst lr;
	_ =	strace $0xD0000000  }
0x3: {  	_ = 	snop  }
0x4: {  	_ = 	snop  }
0x5: {  	_ = 	snop  }
0x6: {  	_ = 	snop  }
0x7: {  	_ = 	snop  }
__scs_overlays_trampoline_lowered:
0x8: {  	[smem:$0x3FAC] =	sst s0  }
0x9: {  	[smem:$0x3FAD] =	sst s1  }
0xa: {  	[smem:$0x3FAE] =	sst s2  }
0xb: {  	[smem:$0x3FAF] =	sst s3  }
0xc: {  	[smem:$0x3FB0] =	sst s4  }
0xd: {  	[smem:$0x3FB1] =	sst s5  }
0xe: {  	[smem:$0x3FB2] =	sst s6  }
0xf: {  	[smem:$0x3FB3] =	sst s7  }
0x10: {  	[smem:$0x3FB4] =	sst s8  }
0x11: {  	[smem:$0x3FB5] =	sst s9;
	s0 =	simm.s32 @!p0 $0x0  }
0x12: {  	s1 =	sld [smem:$0x3F9B];
	s0 =	simm.s32 @p0 $0x1  }
0x13: {  	[smem:$0x3FB6] =	sst s0;
	s0 =	simm.s32 @!p1 $0x0  }
0x14: {  	s2 =	sld [smem:$0x3F9A];
	s0 =	simm.s32 @p1 $0x1  }
0x15: {  	[smem:$0x3FB7] =	sst s0;
	s0 =	simm.s32 @!p2 $0x0  }
0x16: {  	s3 =	sld [smem:$0x3FDB];
	s0 =	simm.s32 @p2 $0x1  }
0x17: {  	s4 =	simm.s32 $0x1BF5;
	[smem:$0x3FB9] =	sst s0  }
0x18: {  	s0 =	sld [smem:$0x3F9C];
	_ =	swait.ge [sflag:s4], $0x0  }
0x19: {  	s7 =	sld [smem:$0x3F9D]  }
0x1a: {  	s8 =	sadd.s32 $0xFFFFE003, lr  }
0x1b: {  	s9 =	sadd.s32 $0xFFFFFEF7, lr;
	s5 =	simm.s32 $0xFFFFFFFF;
	p2 =	slt.u32 s8, $0xFFFFF086  }
0x1c: {  	p1 =	slt.u32 s9, $0xF7A;
	s5 =	simm.s32 @!p2 $0x0  }
0x1d: {  	s5 =	simm.s32 @p1 $0x1;
	p0 =	seq.s32 s7, s2  }
0x1e: {  	s7 =	smul.u32 @!p0 $0xF7A, s2;
	p2 =	seq.s32 @!p0 s5, $0x0  }
0x1f: {  	s9 =	smul.u32 $0xF7A, s1;
	s8 =	simm.s32 @!p0 $0x1BF5;
	p2 =	por !p2, p0  }
0x20: {  	[sflag:s8] =	ssyncset.s32 @!p0 $0xFFFFF086;
	s6 =	sadd.s32 @!p0 s3, s7;
	s7 =	simm.s32 @!p0 $0x108  }
0x21: {  	s3 =	sadd.s32 s3, s9;
	s6 =	sadd.s32 @!p0 $0x88, s6;
	s7 =	simm.s32 @p2 $0x1082  }
0x22: {  	[simem:s7], [sflag:s8] =	dma.local @!p0 [hbm:s6], $0xF7A  }
0x23: {  	s9 =	sor.u32 $0xD0000000, s2;
	s6 =	simm.s32 $0x108;
	_ =	swait.ge @!p0 [sflag:s8], $0x0  }
0x24: {  	s3 =	sadd.s32 $0x88, s3;
	s6 =	simm.s32 @!p1 $0x1082;
	[sflag:s4] =	ssyncset.s32 $0xFFFFF086  }
0x25: {  	[simem:s6], [sflag:s4] =	dma.local [hbm:s3], $0xF7A  }
0x26: {  	[smem:$0x3F9D] =	sst s1;
	(tag) =	ssettag s2;
	_ =	strace s9  }
0x27: {  	s1 =	sld [smem:$0x3FAD]  }
0x28: {  	s2 =	sld [smem:$0x3FAE]  }
0x29: {  	s4 =	sld [smem:$0x3FB0]  }
0x2a: {  	p0 =	seq.s32 s5, $0x0;
	s5 =	sld [smem:$0x3FB1]  }
0x2b: {  	s6 =	sld [smem:$0x3FB2]  }
0x2c: {  	s7 =	sld [smem:$0x3FB3]  }
0x2d: {  	s3 =	simm.s32 $0x108;
	s8 =	sld [smem:$0x3FB4]  }
0x2e: {  	s3 =	simm.s32 @!p0 $0x1082;
	s9 =	sld [smem:$0x3FB5]  }
0x2f: {  	lr =	sadd.s32 s0, s3;
	s0 =	sld [smem:$0x3FAC]  }
0x30: {  	s3 =	sld [smem:$0x3FAF]  }
0x31: {  	[smem:$0x3FB8] =	sst s10  }
0x32: {  	s10 =	sld [smem:$0x3FB6];
	_ =	sdelay $0x3  }
0x33: {  	p0 =	seq.s32 s10, $0x1;
	s10 =	sld [smem:$0x3FB8];
	_ =	sdelay $0x3  }
0x34: {  	[smem:$0x3FB8] =	sst s10  }
0x35: {  	s10 =	sld [smem:$0x3FB7];
	_ =	sdelay $0x3  }
0x36: {  	p1 =	seq.s32 s10, $0x1;
	s10 =	sld [smem:$0x3FB8];
	_ =	sdelay $0x3  }
0x37: {  	[smem:$0x3FB8] =	sst s10  }
0x38: {  	s10 =	sld [smem:$0x3FB9]  }
0x39: {  	_ = 	snop;
	(pc) =	sbr.ind lr, $3  }
0x3a: {  	_ = 	snop  }
0x3b: {  	_ = 	snop  }
0x3c: {  	p2 =	seq.s32 s10, $0x1;
	s10 =	sld [smem:$0x3FB8]  }
0x3d: {  	_ =	shalt  }
0x3e: {  	_ =	shalt  }
0x3f: {  	_ =	shalt  }
0x40: {  	_ =	shalt  }
0x41: {  	_ =	shalt  }
0x42: {  	_ =	shalt  }
0x43: {  	_ =	shalt  }
0x44: {  	_ =	shalt  }
0x45: {  	_ =	shalt  }
0x46: {  	_ =	shalt  }
0x47: {  	_ =	shalt  }
0x48: {  	_ =	shalt  }
0x49: {  	_ =	shalt  }
0x4a: {  	_ =	shalt  }
0x4b: {  	_ =	shalt  }
0x4c: {  	_ =	shalt  }
0x4d: {  	_ =	shalt  }
0x4e: {  	_ =	shalt  }
0x4f: {  	_ =	shalt  }
0x50: {  	_ =	shalt  }
0x51: {  	_ =	shalt  }
0x52: {  	_ =	shalt  }
0x53: {  	_ =	shalt  }
0x54: {  	_ =	shalt  }
0x55: {  	_ =	shalt  }
0x56: {  	_ =	shalt  }
0x57: {  	_ =	shalt  }
0x58: {  	_ =	shalt  }
0x59: {  	_ =	shalt  }
0x5a: {  	_ =	shalt  }
0x5b: {  	_ =	shalt  }
0x5c: {  	_ =	shalt  }
0x5d: {  	_ =	shalt  }
0x5e: {  	_ =	shalt  }
0x5f: {  	_ =	shalt  }
0x60: {  	_ =	shalt  }
0x61: {  	_ =	shalt  }
0x62: {  	_ =	shalt  }
0x63: {  	_ =	shalt  }
0x64: {  	_ =	shalt  }
0x65: {  	_ =	shalt  }
0x66: {  	_ =	shalt  }
0x67: {  	_ =	shalt  }
0x68: {  	_ =	shalt  }
0x69: {  	_ =	shalt  }
0x6a: {  	_ =	shalt  }
0x6b: {  	_ =	shalt  }
0x6c: {  	_ =	shalt  }
0x6d: {  	_ =	shalt  }
0x6e: {  	_ =	shalt  }
0x6f: {  	_ =	shalt  }
0x70: {  	_ =	shalt  }
0x71: {  	_ =	shalt  }
0x72: {  	_ =	shalt  }
0x73: {  	_ =	shalt  }
0x74: {  	_ =	shalt  }
0x75: {  	_ =	shalt  }
0x76: {  	_ =	shalt  }
0x77: {  	_ =	shalt  }
0x78: {  	_ =	shalt  }
0x79: {  	_ =	shalt  }
0x7a: {  	_ =	shalt  }
0x7b: {  	_ =	shalt  }
0x7c: {  	_ =	shalt  }
0x7d: {  	_ =	shalt  }
0x7e: {  	_ =	shalt  }
0x7f: {  	_ =	shalt  }
0x80: {  	_ =	shalt  }
0x81: {  	_ =	shalt  }
0x82: {  	_ =	shalt  }
0x83: {  	_ =	shalt  }
0x84: {  	_ =	shalt  }
0x85: {  	_ =	shalt  }
0x86: {  	_ =	shalt  }
0x87: {  	_ =	shalt  }
.Lfunc_end0:
.L_simem_size_0:
called_computation.1_lowered:
.L_overlay_start_0:
0x88: {  	s2 =	sld [smem:$0x3FD9]  }
0x89: {  	s3 =	sld [smem:$0x3FFE];
	_ =	sdelay $0x1  }
0x8a: {  	s1 =	srdreg.scid  }
0x8b: {  	s0 =	sand.u32 $0x1, s1  }
0x8c: {  	s17 =	sshll.u32 s0, $0xA;
	s2 =	sadd.s32 s3, s2  }
0x8d: {  	s2 =	sadd.s32 s2, s17  }
0x8e: {  	[smem:$0x3FC4] =	sst s2  }
0x8f: {  	_ = 	snop  }
0x90: {  	s2 =	sld [smem:$0x3FD0];
	(tm) =	ssettm $0x1  }
0x91: {  	s18 =	sld [smem:$0x3FFB];
	_ =	sdelay $0x3  }
0x92: {  	_ =	strace s18  }
0x93: {  	s3 =	sld [smem:$0x3FFC];
	_ =	sdelay $0x3  }
0x94: {  	_ =	strace s3  }
0x95: {  	s3 =	sld [smem:$0x3FFD];
	_ =	sdelay $0x3  }
0x96: {  	_ =	strace s3  }
0x97: {  	_ =	strace $0x8FFFFFFF  }
0x98: {  	s19 =	sld [smem:$0x3FDB];
	_ =	sdelay $0x1  }
0x99: {  	s4 =	simm.s32 $_scs_section_size  }
0x9a: {  	s5 =	simm.s32 $_size__tile_overlayer_lowered;
	s6 =	simm.s32 $_tile_overlayer_lowered  }
0x9b: {  	s22 =	simm.s32 $0x1BFF;
	s21 =	sshll.u32 s6, $0x1;
	s3 =	sadd.s32 s4, s19  }
0x9c: {  	s7 =	simm.s32 $0x0;
	s20 =	sshll.u32 s5, $0x1;
	s5 =	sadd.s32 s21, s3  }
0x9d: {  	[timem:s7], [sflag:s22] =	dma.local [hbm:s5], s20  }
0x9e: {  	_ =	swait.ge [sflag:s22], s20  }
0x9f: {  	s4 =	ssub.s32 $0x0, s20;
	[sflag:s22] =	ssyncset.done $0x0  }
0xa0: {  	[sflag:s22] =	ssyncadd.s32 s4;
	_ =	sdelay $0x1  }
0xa1: {  	s23 =	simm.s32 $0x1B8B  }
0xa2: {  	_ =	swait.ge [sflag:s23], $0x1  }
0xa3: {  	[sflag:s23] =	ssyncset.done $0x0  }
0xa4: {  	s25 =	simm.s32 $0x1B8E;
	s24 =	sld [smem:$0x3FFE];
	[sflag:s23] =	ssyncadd.s32 $0xFFFFFFFF  }
0xa5: {  	s26 =	simm.s32 $execute0_lowered;
	[smem:$0x3FD2] =	sst s25  }
0xa6: {  	s5 =	sshll.u32 s26, $0x1;
	_ =	strace $0x80000049;
	[dreg:$0x1] =	wrdreg $0xFFFFFFFF  }
0xa7: {  	s28 =	simm.s32 $_size_execute0_lowered;
	s3 =	sadd.s32 s3, s5;
	[dreg:$0x0] =	wrdreg $0x0  }
0xa8: {  	s5 =	sshll.u32 s28, $0x1;
	[dreg:$0x2] =	wrdreg s3  }
0xa9: {  	[dreg:$0x3] =	wrdreg s5  }
0xaa: {  	[dreg:$0x4] =	wrdreg $0xC0  }
0xab: {  	_ =	task [dreg:s7], $0x5FFFF  }
0xac: {  	[dreg:$0x1] =	wrdreg $0xFFFFFFFF  }
0xad: {  	[dreg:$0x0] =	wrdreg $0x60  }
0xae: {  	[dreg:$0x2] =	wrdreg s24  }
0xaf: {  	[dreg:$0x3] =	wrdreg s2  }
0xb0: {  	[dreg:$0x4] =	wrdreg $0xBC000  }
0xb1: {  	[dreg:$0x5] =	wrdreg $0x9  }
0xb2: {  	_ =	task.clear_ibuf [dreg:s7], $0x6FFFF;
	_ =	strace $0x90000049  }
0xb3: {  	s29 =	simm.s32 $0x9;
	_ =	strace $0x8000004B  }
0xb4: {  	_ =	swait.ge [sflag:s29], $0x1  }
0xb5: {  	[sflag:s29] =	ssyncadd.s32 $0xFFFFFFFF  }
0xb6: {  	_ =	strace $0x9000004B  }
0xb7: {  	_ =	sfence  }
0xb8: {  	s30 =	sld [smem:$0x0];
	_ =	sdelay $0x2  }
0xb9: {  	s31 =	sshll.u32 s1, $0xD;
	s1 =	sshrl.u32 s1, $0x2  }
0xba: {  	s3 =	sand.u32 $0x4000, s31;
	s1 =	sadd.s32 s1, s30  }
0xbb: {  	s0 =	sor.u32 s3, s0;
	s1 =	sshll.u32 s1, $0x11  }
0xbc: {  	s0 =	sor.u32 s1, s0  }
0xbd: {  	s0 =	sadd.s32 $0x8F2B, s0  }
0xbe: {  	[sflag:s0] =	ssyncadd.remote.s32 $0x1  }
0xbf: {  	_ =	sfence.sel $0xFFFF  }
0xc0: {  	[dreg:$0x0] =	wrdreg $0xFFFFFFFF;
	(pc) =	sbr.abs _section_cstart, $3  }
0xc1: {  	[dreg:$0x1] =	wrdreg $0xFFFFFFFF  }
0xc2: {  	_ =	task.clear_ibuf [dreg:s7], $0x2FFFF;
	_ =	strace $0x9FFFFFFF  }
0xc3: {  	(tm) =	ssettm $0x7FFFFFFF  }
tec
execute0_lowered:
.L_overlay_start_1:
0x0: {  	(tag) =	ssettag $0x1  }
0x1: {  	s0 =	rddreg [dreg:$0x0]  }
0x2: {  	s1 =	srdreg.scid;
	s11 =	rddreg [dreg:$0x1]  }
0x3: {  	s2 =	rddreg [dreg:$0x2];
	s17 =	stileid.u32  }
0x4: {  	s3 =	simm.s32 $0x0;
	s18 =	simm.s32 $0x7C00;
	s19 =	simm.s32 $0x2  }
0x5: {  	s28 =	simm.s32 $0x2880;
	s29 =	simm.s32 $0x4;
	s8 =	smul.u32 $0x280, s17  }
0x6: {  	s1 =	sand.u32 $0x1, s1;
	[smem:$0x7FF] =	sst s3;
	s9 =	smul.u32 $0x50000, s17  }
0x7: {  	s20 =	smul.u32 $0x2800, s17;
	s4 =	sshll.u32 s1, $0x4;
	_ =	strace $0x8000004A  }
0x8: {  	s5 =	smul.u32 $0x28000, s1;
	s1 =	ssub.s32 $0x2, s1;
	s4 =	sor.u32 s17, s4  }
0x9: {  	s7 =	sshrl.u32 s1, $0x1;
	s13 =	sadd.s32 $0x80, s8;
	s25 =	sshrl.u32 s9, $0x2  }
0xa: {  	s14 =	sadd.s32 $0x100, s8;
	s15 =	sadd.s32 $0x180, s8;
	s16 =	sadd.s32 $0x200, s8  }
0xb: {  	s17 =	simm.s32 $0x1;
	s12 =	smul.u32 $0x500, s4;
	s4 =	sadd.s32 $0x15200, s0  }
0xc: {  	s1 =	ssub.s32 s1, s7;
	s26 =	sshll.u32 s13, $0x7;
	s30 =	sshll.u32 s14, $0x7  }
0xd: {  	s31 =	sshll.u32 s15, $0x7;
	s10 =	sshll.u32 s16, $0x7;
	s21 =	sshll.u32 s13, $0x4  }
0xe: {  	s22 =	sshll.u32 s14, $0x4;
	s23 =	sshll.u32 s15, $0x4;
	s24 =	sshll.u32 s16, $0x4  }
0xf: {  	s13 =	simm.s32 $0x5;
	s14 =	simm.s32 $0x3C00;
	s15 =	simm.s32 $0x2800  }
0x10: {  	s16 =	simm.s32 $0x80;
	s7 =	sadd.s32 s26, s2;
	s8 =	sadd.s32 s30, s2  }
0x11: {  	s9 =	sadd.s32 s31, s2;
	s10 =	sadd.s32 s10, s2;
	s6 =	sadd.s32 s12, s0  }
.Ltmp0:
0x12: {  	s0 =	sadd.s32 s5, s0;
	s11 =	sadd.s32 s11, s12;
	(pc) =	sbr.rel .LBB2_1-.Ltmp0, $4  }
0x13: {  	s12 =	smax.u32 s1, $0x1;
	s1 =	simm.s32 $0x0;
	s5 =	sadd.s32 $0xB200, s6  }
0x14: {  	s6 =	sadd.s32 s25, s2;
	s0 =	sadd.s32 $0x3D200, s0;
	s25 =	simm.s32 $0x3  }
0x15: {  	s20 =	sadd.s32 s20, s0;
	s21 =	sadd.s32 s21, s0;
	s22 =	sadd.s32 s22, s0  }
0x16: {  	v0 =	vimm.f32 $0.0e+00;
	s23 =	sadd.s32 s23, s0;
	s24 =	sadd.s32 s24, s0;
	s0 =	simm.s32 $0x1500  }
.LBB2_9:
0x17: {  	[spmem:s2] =	stream.indirect.scatter.add.f32 [tilespmem:s18], [sflag:$0x4], $0x80, s31, s16, $0xb8;
	[tilespmem:$0x1FC00] =	vst v63  }
0x18: {  	_ =	swait.ge [sflag:s29], $0x4000  }
0x19: {  	s26 =	stileid.u32;
	[sflag:s29] =	ssyncset.done $0x0  }
0x1a: {  	s26 =	sshll.u32 s26, $0x6;
	[sflag:s29] =	ssyncadd.s32 $0xFFFFC000  }
0x1b: {  	s30 =	sshrl.u32 s6, $0x3;
	s26 =	sor.u32 $0x1C05, s26;
	[bflag:$0x0] =	sbarrier.arrive $0xFFFF  }
0x1c: {  	[hbm:s20], [sflag:s26] =	dma.local [spmem:s30], $0x800  }
0x1d: {  	_ =	swait.ge [sflag:s13], $0x800  }
0x1e: {  	[sflag:s13] =	ssyncset.done $0x0  }
0x1f: {  	s31 =	sshrl.u32 s7, $0x3;
	[sflag:s13] =	ssyncadd.s32 $0xFFFFF800  }
0x20: {  	[hbm:s21], [sflag:s26] =	dma.local [spmem:s31], $0x800  }
0x21: {  	_ =	swait.ge [sflag:s13], $0x800  }
0x22: {  	[sflag:s13] =	ssyncset.done $0x0  }
0x23: {  	s31 =	sshrl.u32 s8, $0x3;
	[sflag:s13] =	ssyncadd.s32 $0xFFFFF800  }
0x24: {  	[hbm:s22], [sflag:s26] =	dma.local [spmem:s31], $0x800  }
0x25: {  	_ =	swait.ge [sflag:s13], $0x800  }
0x26: {  	[sflag:s13] =	ssyncset.done $0x0  }
0x27: {  	s31 =	sshrl.u32 s9, $0x3;
	[sflag:s13] =	ssyncadd.s32 $0xFFFFF800  }
0x28: {  	[hbm:s23], [sflag:s26] =	dma.local [spmem:s31], $0x800  }
0x29: {  	s1 =	sadd.s32 $0x1, s1;
	_ =	swait.ge [sflag:s13], $0x800  }
0x2a: {  	p0 =	sne.s32 s1, s12;
	[sflag:s13] =	ssyncset.done $0x0  }
.Ltmp1:
0x2b: {  	s31 =	sshrl.u32 s10, $0x3;
	[sflag:s13] =	ssyncadd.s32 $0xFFFFF800;
	(pc) =	sbr.rel @!p0 .LBB2_10-.Ltmp1, $4  }
0x2c: {  	[hbm:s24], [sflag:s26] =	dma.local [spmem:s31], $0x800  }
0x2d: {  	_ =	swait.ge [sflag:s13], $0x800  }
0x2e: {  	[sflag:s13] =	ssyncset.done $0x0  }
0x2f: {  	[sflag:s13] =	ssyncadd.s32 $0xFFFFF800  }
.LBB2_1:
0x30: {  	[tilespmem:s3], [sflag:$0x5] =	stream.linear.gather [hbm4b:s5+s3], $0x2800, $0x38;
	[tilespmem:$0x1FC00] =	vst v63  }
0x31: {  	_ =	swait.ge [sflag:s13], $0x2800  }
0x32: {  	[sflag:s13] =	ssyncset.done $0x0  }
0x33: {  	s26 =	simm.s32 $0x0;
	s30 =	simm.s32 $0x200;
	[sflag:s13] =	ssyncadd.s32 $0xFFFFD800  }
.LBB2_2:
0x34: {  	p0 =	sne.s32 s30, $0xFE00;
	[tilespmem:s26+$0x3C70] =	vst v0  }
0x35: {  	[tilespmem:s26+$0x3C00] =	vst v0  }
0x36: {  	[tilespmem:s26+$0x3C10] =	vst v0  }
.Ltmp2:
0x37: {  	[tilespmem:s26+$0x3C20] =	vst v0;
	(pc) =	sbr.rel @p0 .LBB2_2-.Ltmp2, $4  }
0x38: {  	[tilespmem:s26+$0x3C30] =	vst v0  }
0x39: {  	[tilespmem:s26+$0x3C40] =	vst v0  }
0x3a: {  	[tilespmem:s26+$0x3C50] =	vst v0  }
0x3b: {  	[tilespmem:s26+$0x3C60] =	vst v0;
	s26 =	sshra.s32 s30, $0x2;
	s30 =	sadd.s32 $0x200, s30  }
0x3c: {  	[tilespmem:s26+$0x3C70] =	vst v0  }
0x3d: {  	[tilespmem:s26+$0x3C00] =	vst v0  }
0x3e: {  	[tilespmem:s26+$0x3C10] =	vst v0  }
0x3f: {  	[tilespmem:s26+$0x3C20] =	vst v0  }
0x40: {  	[tilespmem:s26+$0x3C30] =	vst v0  }
0x41: {  	[tilespmem:s26+$0x3C40] =	vst v0  }
0x42: {  	[tilespmem:s26+$0x3C50] =	vst v0  }
0x43: {  	[tilespmem:s26+$0x3C60] =	vst v0  }
0x44: {  	[spmem:s6] =	stream.linear.scatter [tilespmem:s14], [sflag:$0x5], $0x4000, $0x38;
	[tilespmem:$0x1FC00] =	vst v63  }
0x45: {  	_ =	swait.ge [sflag:s13], $0x4000  }
0x46: {  	[sflag:s13] =	ssyncset.done $0x0  }
0x47: {  	[sflag:s13] =	ssyncadd.s32 $0xFFFFC000  }
0x48: {  	[spmem:s7] =	stream.linear.scatter [tilespmem:s14], [sflag:$0x5], $0x4000, $0x38;
	[tilespmem:$0x1FC00] =	vst v63  }
0x49: {  	_ =	swait.ge [sflag:s13], $0x4000  }
0x4a: {  	[sflag:s13] =	ssyncset.done $0x0  }
0x4b: {  	[sflag:s13] =	ssyncadd.s32 $0xFFFFC000  }
0x4c: {  	[spmem:s8] =	stream.linear.scatter [tilespmem:s14], [sflag:$0x5], $0x4000, $0x38;
	[tilespmem:$0x1FC00] =	vst v63  }
0x4d: {  	_ =	swait.ge [sflag:s13], $0x4000  }
0x4e: {  	[sflag:s13] =	ssyncset.done $0x0  }
0x4f: {  	[sflag:s13] =	ssyncadd.s32 $0xFFFFC000  }
0x50: {  	[spmem:s9] =	stream.linear.scatter [tilespmem:s14], [sflag:$0x5], $0x4000, $0x38;
	[tilespmem:$0x1FC00] =	vst v63  }
0x51: {  	_ =	swait.ge [sflag:s13], $0x4000  }
0x52: {  	[sflag:s13] =	ssyncset.done $0x0  }
0x53: {  	[sflag:s13] =	ssyncadd.s32 $0xFFFFC000  }
0x54: {  	[spmem:s10] =	stream.linear.scatter [tilespmem:s14], [sflag:$0x5], $0x4000, $0x38;
	[tilespmem:$0x1FC00] =	vst v63  }
0x55: {  	_ =	swait.ge [sflag:s13], $0x4000  }
0x56: {  	[sflag:s13] =	ssyncset.done $0x0  }
0x57: {  	[sflag:s13] =	ssyncadd.s32 $0xFFFFC000  }
0x58: {  	[bflag:$0x0] =	sbarrier.arrive $0xFFFF  }
0x59: {  	[tilespmem:s15], [sflag:$0x5] =	stream.linear.gather [hbm4b:s11+s3], $0x1400, $0x38;
	[tilespmem:$0x1FC00] =	vst v63  }
0x5a: {  	_ =	swait.ge [sflag:s13], $0x1400  }
0x5b: {  	[sflag:s13] =	ssyncset.done $0x0  }
0x5c: {  	[sflag:s13] =	ssyncadd.s32 $0xFFFFEC00  }
0x5d: {  	[tilespmem:s14], [sflag:$0x1] =	stream.indirect.gather [hbm4b:s4+s16], $0x80, s3, s16, $0xb8;
	[tilespmem:$0x1FC00] =	vst v63  }
0x5e: {  	_ =	swait.ge [sflag:s17], $0x4000  }
0x5f: {  	[sflag:s17] =	ssyncset.done $0x0  }
0x60: {  	[sflag:s17] =	ssyncadd.s32 $0xFFFFC000  }
0x61: {  	[tilespmem:s18], [sflag:$0x2] =	stream.indirect.gather [hbm4b:s4+s16], $0x80, s16, s16, $0xb8;
	[tilespmem:$0x1FC00] =	vst v63  }
0x62: {  	_ = 	snop  }
0x63: {  	[spmem:s2] =	stream.indirect.scatter.add.f32 [tilespmem:s14], [sflag:$0x3], $0x80, s15, s16, $0xb8;
	[tilespmem:$0x1FC00] =	vst v63  }
0x64: {  	_ =	swait.ge [sflag:s19], $0x4000  }
0x65: {  	[sflag:s19] =	ssyncset.done $0x0  }
0x66: {  	[sflag:s19] =	ssyncadd.s32 $0xFFFFC000  }
0x67: {  	_ =	swait.ge [sflag:s25], $0x4000  }
0x68: {  	[sflag:s25] =	ssyncset.done $0x0  }
0x69: {  	s31 =	simm.s32 $0x100;
	[sflag:s25] =	ssyncadd.s32 $0xFFFFC000  }
0x6a: {  	[tilespmem:s14], [sflag:$0x1] =	stream.indirect.gather [hbm4b:s4+s16], $0x80, s31, s16, $0xb8;
	[tilespmem:$0x1FC00] =	vst v63  }
0x6b: {  	s26 =	simm.s32 $0xFFFFB800  }
0x6c: {  	[spmem:s2] =	stream.indirect.scatter.add.f32 [tilespmem:s18], [sflag:$0x4], $0x80, s28, s16, $0xb8;
	[tilespmem:$0x1FC00] =	vst v63  }
.LBB2_4:
0x6d: {  	_ =	swait.ge [sflag:s17], $0x4000  }
0x6e: {  	[sflag:s17] =	ssyncset.done $0x0  }
0x6f: {  	[sflag:s17] =	ssyncadd.s32 $0xFFFFC000  }
0x70: {  	_ =	swait.ge [sflag:s29], $0x4000  }
0x71: {  	s30 =	sshra.s32 s26, $0x2;
	[sflag:s29] =	ssyncset.done $0x0  }
0x72: {  	s31 =	sadd.s32 $0x1380, s30;
	[sflag:s29] =	ssyncadd.s32 $0xFFFFC000  }
0x73: {  	[tilespmem:s18], [sflag:$0x2] =	stream.indirect.gather [hbm4b:s4+s16], $0x80, s31, s16, $0xb8;
	[tilespmem:$0x1FC00] =	vst v63  }
0x74: {  	s31 =	sadd.s32 $0x3B00, s30  }
0x75: {  	[spmem:s2] =	stream.indirect.scatter.add.f32 [tilespmem:s14], [sflag:$0x3], $0x80, s31, s16, $0xb8;
	[tilespmem:$0x1FC00] =	vst v63  }
0x76: {  	p0 =	seq.s32 s26, $0x0;
	_ =	swait.ge [sflag:s19], $0x4000  }
.Ltmp3:
0x77: {  	[sflag:s19] =	ssyncset.done $0x0;
	(pc) =	sbr.rel @p0 .LBB2_6-.Ltmp3, $4  }
0x78: {  	[sflag:s19] =	ssyncadd.s32 $0xFFFFC000  }
0x79: {  	_ =	swait.ge [sflag:s25], $0x4000  }
0x7a: {  	[sflag:s25] =	ssyncset.done $0x0  }
0x7b: {  	s31 =	sadd.s32 $0x3B80, s30;
	[sflag:s25] =	ssyncadd.s32 $0xFFFFC000  }
.Ltmp4:
0x7c: {  	(pc) =	sbr.rel .LBB2_4-.Ltmp4, $4  }
0x7d: {  	s30 =	sadd.s32 $0x1400, s30  }
0x7e: {  	[tilespmem:s14], [sflag:$0x1] =	stream.indirect.gather [hbm4b:s4+s16], $0x80, s30, s16, $0xb8;
	[tilespmem:$0x1FC00] =	vst v63  }
0x7f: {  	s26 =	sadd.s32 $0x400, s26  }
0x80: {  	[spmem:s2] =	stream.indirect.scatter.add.f32 [tilespmem:s18], [sflag:$0x4], $0x80, s31, s16, $0xb8;
	[tilespmem:$0x1FC00] =	vst v63  }
.LBB2_6:
0x81: {  	[spmem:s2] =	stream.indirect.scatter.add.f32 [tilespmem:s18], [sflag:$0x4], $0x80, s31, s16, $0xb8;
	[tilespmem:$0x1FC00] =	vst v63  }
0x82: {  	_ =	swait.ge [sflag:s29], $0x4000  }
0x83: {  	[sflag:s29] =	ssyncset.done $0x0  }
0x84: {  	s26 =	sadd.s32 $0x280, s11;
	[sflag:s29] =	ssyncadd.s32 $0xFFFFC000  }
0x85: {  	[tilespmem:s15], [sflag:$0x5] =	stream.linear.gather [hbm4b:s26+s3], $0x1400, $0x38;
	[tilespmem:$0x1FC00] =	vst v63  }
0x86: {  	_ =	swait.ge [sflag:s13], $0x1400  }
0x87: {  	[sflag:s13] =	ssyncset.done $0x0  }
0x88: {  	s30 =	simm.s32 $0x1400;
	[sflag:s13] =	ssyncadd.s32 $0xFFFFEC00  }
0x89: {  	[tilespmem:s14], [sflag:$0x1] =	stream.indirect.gather [hbm4b:s4+s16], $0x80, s30, s16, $0xb8;
	[tilespmem:$0x1FC00] =	vst v63  }
0x8a: {  	_ =	swait.ge [sflag:s17], $0x4000  }
0x8b: {  	[sflag:s17] =	ssyncset.done $0x0  }
0x8c: {  	s31 =	simm.s32 $0x1480;
	[sflag:s17] =	ssyncadd.s32 $0xFFFFC000  }
0x8d: {  	[tilespmem:s18], [sflag:$0x2] =	stream.indirect.gather [hbm4b:s4+s16], $0x80, s31, s16, $0xb8;
	[tilespmem:$0x1FC00] =	vst v63  }
0x8e: {  	_ = 	snop  }
0x8f: {  	[spmem:s2] =	stream.indirect.scatter.add.f32 [tilespmem:s14], [sflag:$0x3], $0x80, s15, s16, $0xb8;
	[tilespmem:$0x1FC00] =	vst v63  }
0x90: {  	_ =	swait.ge [sflag:s19], $0x4000  }
0x91: {  	[sflag:s19] =	ssyncset.done $0x0  }
0x92: {  	[sflag:s19] =	ssyncadd.s32 $0xFFFFC000  }
0x93: {  	_ =	swait.ge [sflag:s25], $0x4000  }
0x94: {  	[sflag:s25] =	ssyncset.done $0x0  }
0x95: {  	[sflag:s25] =	ssyncadd.s32 $0xFFFFC000  }
0x96: {  	[tilespmem:s14], [sflag:$0x1] =	stream.indirect.gather [hbm4b:s4+s16], $0x80, s0, s16, $0xb8;
	[tilespmem:$0x1FC00] =	vst v63  }
0x97: {  	s26 =	simm.s32 $0xFFFFB800  }
0x98: {  	[spmem:s2] =	stream.indirect.scatter.add.f32 [tilespmem:s18], [sflag:$0x4], $0x80, s28, s16, $0xb8;
	[tilespmem:$0x1FC00] =	vst v63  }
.LBB2_7:
0x99: {  	_ =	swait.ge [sflag:s17], $0x4000  }
0x9a: {  	[sflag:s17] =	ssyncset.done $0x0  }
0x9b: {  	[sflag:s17] =	ssyncadd.s32 $0xFFFFC000  }
0x9c: {  	_ =	swait.ge [sflag:s29], $0x4000  }
0x9d: {  	s30 =	sshra.s32 s26, $0x2;
	[sflag:s29] =	ssyncset.done $0x0  }
0x9e: {  	s31 =	sadd.s32 $0x2780, s30;
	[sflag:s29] =	ssyncadd.s32 $0xFFFFC000  }
0x9f: {  	[tilespmem:s18], [sflag:$0x2] =	stream.indirect.gather [hbm4b:s4+s16], $0x80, s31, s16, $0xb8;
	[tilespmem:$0x1FC00] =	vst v63  }
0xa0: {  	s31 =	sadd.s32 $0x3B00, s30  }
0xa1: {  	[spmem:s2] =	stream.indirect.scatter.add.f32 [tilespmem:s14], [sflag:$0x3], $0x80, s31, s16, $0xb8;
	[tilespmem:$0x1FC00] =	vst v63  }
0xa2: {  	p0 =	seq.s32 s26, $0x0;
	_ =	swait.ge [sflag:s19], $0x4000  }
.Ltmp5:
0xa3: {  	[sflag:s19] =	ssyncset.done $0x0;
	(pc) =	sbr.rel @p0 .LBB2_9-.Ltmp5, $4  }
0xa4: {  	[sflag:s19] =	ssyncadd.s32 $0xFFFFC000  }
0xa5: {  	_ =	swait.ge [sflag:s25], $0x4000  }
0xa6: {  	[sflag:s25] =	ssyncset.done $0x0  }
0xa7: {  	s31 =	sadd.s32 $0x3B80, s30;
	[sflag:s25] =	ssyncadd.s32 $0xFFFFC000  }
.Ltmp6:
0xa8: {  	(pc) =	sbr.rel .LBB2_7-.Ltmp6, $4  }
0xa9: {  	s30 =	sadd.s32 $0x2800, s30  }
0xaa: {  	[tilespmem:s14], [sflag:$0x1] =	stream.indirect.gather [hbm4b:s4+s16], $0x80, s30, s16, $0xb8;
	[tilespmem:$0x1FC00] =	vst v63  }
0xab: {  	s26 =	sadd.s32 $0x400, s26  }
0xac: {  	[spmem:s2] =	stream.indirect.scatter.add.f32 [tilespmem:s18], [sflag:$0x4], $0x80, s31, s16, $0xb8;
	[tilespmem:$0x1FC00] =	vst v63  }
.LBB2_10:
0xad: {  	_ =	sfence.sel $0x180000  }
0xae: {  	[bflag:$0x0] =	sbarrier.arrive $0xFFFF  }
0xaf: {  	_ =	strace $0x9000004A  }
0xb0: {  	s0 =	stileid.u32;
	[bflag:$0x2] =	sbarrier.arrive $0xFFFF  }
0xb1: {  	p0 =	sne.s32 s0, $0x0;
	s0 =	rddreg [dreg:$0x3]  }
0xb2: {  	s0 =	sadd.s32 @!p0 $0x100000, s0  }
0xb3: {  	[sflag:s0] =	ssyncadd.tile.s32 @!p0 $0x1;
	_ =	shalt  }
.Lfunc_end2:
_tile_overlayer_lowered:
.L_overlay_start_2:
0xb4: {  	(tag) =	ssettag $0x2  }
0xb5: {  	s0 =	rddreg [dreg:$0x0];
	s2 =	stileid.u32  }
0xb6: {  	s1 =	rddreg [dreg:$0x1];
	p0 =	sne.s32 s2, $0x0  }
0xb7: {  	s3 =	rddreg [dreg:$0x2];
	[bflag:$0x3] =	sbarrier.arrive $0xFFFF;
	s2 =	simm.s32 @!p0 $0x1C05  }
0xb8: {  	[timem:s3], [sflag:s2] =	dma.local @!p0 [hbm:s0], s1  }
0xb9: {  	s0 =	simm.s32 @!p0 $0x5  }
0xba: {  	_ =	swait.ge @!p0 [sflag:s0], s1  }
0xbb: {  	s1 =	ssub.s32 @!p0 $0x0, s1;
	[sflag:s0] =	ssyncset.done @!p0 $0x0  }
0xbc: {  	[sflag:s0] =	ssyncadd.s32 @!p0 s1  }
0xbd: {  	[bflag:$0x3] =	sbarrier.arrive $0xFFFF  }
0xbe: {  	_ =	shalt  }

</sc_bundles>
